<compile_context>
chip_gen: v7x
topology: tpu7x:2x2x1
jax: 0.10.2.dev20260603
libtpu: 0.0.44.dev20260713+nightly
codegen_flags: <defaults>
</compile_context>

<pallas_src>
import functools

import jax
import jax.numpy as jnp
from jax import lax
from jax.experimental import pallas as pl
from jax.experimental.pallas import tpu as pltpu
from jax.experimental.pallas import tpu_sc as plsc

MC = 5
B = 32
Q = 8192
C = 16
CONF_THR = 0.15

BB = 8
QB = 2048

_NEG_INF = float("-inf")


def _dense_body(z_ref, labels_ref, valid_ref,
                ml_ref, unc_ref, mconf_ref, munc_ref):
    z = z_ref[...]
    e = jnp.exp(z)
    s = jnp.sum(e, axis=2)

    macc = jnp.zeros((BB, C, QB), jnp.float32)
    sacc = jnp.zeros((BB, C, QB), jnp.float32)
    for m in range(MC):
        t = e[m] / s[m][:, None, :]
        macc = macc + t
        sacc = sacc + t * t
    mean_p = macc * jnp.float32(1.0 / MC)
    w = sacc - mean_p * macc

    unc = jnp.sum(w, axis=1) * jnp.float32(1.0 / (C * (MC - 1)))
    conf = jnp.max(mean_p, axis=1)
    oh = mean_p == conf[:, None, :]
    cidx = lax.broadcasted_iota(jnp.int32, (BB, C, QB), 1)
    pred = jnp.min(jnp.where(oh, cidx, jnp.int32(C)), axis=1)

    lab = labels_ref[...]
    vm = valid_ref[...] != 0
    hcc = (pred == lab) & vm & (conf > CONF_THR)

    ml_ref[...] = ((z[0] + z[1] + z[2] + z[3] + z[4])
                   * jnp.float32(1.0 / MC))
    unc_ref[...] = unc
    mconf_ref[...] = jnp.where(hcc, conf, _NEG_INF)
    munc_ref[...] = jnp.where(vm, unc, _NEG_INF)


def _dense_call(zt, labels32, vmask32):
    grid = (B // BB, Q // QB)
    bq_spec = pl.BlockSpec((BB, QB), lambda i, j: (i, j))
    bq_shape = jax.ShapeDtypeStruct((B, Q), jnp.float32)
    return pl.pallas_call(
        _dense_body,
        grid=grid,
        in_specs=[
            pl.BlockSpec((MC, BB, C, QB), lambda i, j: (0, i, 0, j)),
            bq_spec,
            bq_spec,
        ],
        out_specs=[
            pl.BlockSpec((BB, C, QB), lambda i, j: (i, 0, j)),
            bq_spec,
            bq_spec,
            bq_spec,
        ],
        out_shape=[
            jax.ShapeDtypeStruct((B, C, Q), jnp.float32),
            bq_shape,
            bq_shape,
            bq_shape,
        ],
        compiler_params=pltpu.CompilerParams(
            dimension_semantics=("parallel", "parallel"),
        ),
    )(zt, labels32, vmask32)


def _lane_argmax(best_v, best_i):
    m = jnp.max(best_v, axis=0)
    cand = jnp.where(best_v == m, best_i, jnp.int32(2**30))
    return m, jnp.min(cand, axis=0)


def _select_body(mconf_hbm, munc_hbm, out_hbm, conf_v, unc_v, out_v):
    wid = lax.axis_index("s") * 2 + lax.axis_index("c")
    pltpu.sync_copy(mconf_hbm.at[wid], conf_v)
    pltpu.sync_copy(munc_hbm.at[wid], unc_v)

    iota = lax.iota(jnp.int32, 16)
    nchunk = Q // 16
    big = jnp.full((16,), jnp.int32(2**30))
    neg = jnp.full((16,), _NEG_INF, jnp.float32)

    def upd(v, q, bv, bi):
        take = (v > bv) | ((v == bv) & (q < bi))
        return jnp.where(take, v, bv), jnp.where(take, q, bi)

    def pass1(i, carry):
        bc_v, bc_i, bu_v, bu_i = carry
        base = i * 16
        q = iota + base
        cv = conf_v[pl.ds(base, 16)]
        uv = unc_v[pl.ds(base, 16)]
        bc_v, bc_i = upd(cv, q, bc_v, bc_i)
        bu_v, bu_i = upd(uv, q, bu_v, bu_i)
        return bc_v, bc_i, bu_v, bu_i

    bc_v, bc_i, bu_v, bu_i = lax.fori_loop(
        0, nchunk, pass1, (neg, big, neg, big), unroll=8)

    conf_max, pos0 = _lane_argmax(bc_v, bc_i)
    _, neg0 = _lane_argmax(bu_v, bu_i)

    def pass2(i, carry):
        bu_v, bu_i = carry
        base = i * 16
        q = iota + base
        uv = unc_v[pl.ds(base, 16)]
        uv = jnp.where(q == neg0, _NEG_INF, uv)
        return upd(uv, q, bu_v, bu_i)

    bu_v, bu_i = lax.fori_loop(0, nchunk, pass2, (neg, big), unroll=8)
    _, neg1 = _lane_argmax(bu_v, bu_i)

    has_pos = conf_max > jnp.float32(0.0)
    pos = jnp.where(has_pos, pos0, jnp.int32(-1))

    r = jnp.where(iota == 0, pos,
        jnp.where(iota == 1, has_pos.astype(jnp.int32),
        jnp.where(iota == 2, neg0,
        jnp.where(iota == 3, neg1, jnp.int32(0)))))
    out_v[...] = r
    pltpu.sync_copy(out_v, out_hbm.at[wid])


@functools.cache
def _select_call():
    return functools.partial(
        pl.kernel,
        out_type=jax.ShapeDtypeStruct((B, 16), jnp.int32),
        mesh=plsc.VectorSubcoreMesh(core_axis_name="c", subcore_axis_name="s"),
        compiler_params=pltpu.CompilerParams(needs_layout_passes=False),
        scratch_types=[
            pltpu.VMEM((Q,), jnp.float32),
            pltpu.VMEM((Q,), jnp.float32),
            pltpu.VMEM((16,), jnp.int32),
        ],
    )(_select_body)


def kernel(all_logits, labels, valid_mask):
    zt = jnp.transpose(all_logits, (0, 1, 3, 2))
    labels32 = labels.astype(jnp.int32)
    vmask32 = valid_mask.astype(jnp.int32)
    ml, unc, mconf, munc = _dense_call(zt, labels32, vmask32)
    sel = _select_call()(mconf, munc)
    pos_idx = sel[:, 0]
    has_pos = sel[:, 1].astype(jnp.bool_)
    neg_idx = sel[:, 2:4]
    mean_logits = jnp.transpose(ml, (0, 2, 1))
    return (mean_logits, unc, pos_idx, has_pos, neg_idx)

# --- scband reference (transcript-rebuilt; emitter-appended) ---
"""Pipeline reference for scband-uncertainty-sample-extractor-37203006718365 (READ-ONLY COPY).

The authoritative reference and input builder live on the scoring server;
editing this copy changes nothing except your own understanding.
"""

import jax, jax.numpy as jnp
import numpy as np

MC = 5
B = 32
Q = 8192
C = 16
CONF_THR = 0.15


def setup_inputs(seed: int = 0) -> dict:
    key = jax.random.key(seed)
    k1, k2 = jax.random.split(key)
    all_logits = jax.random.normal(k1, (MC, B, Q, C), dtype=jnp.float32)
    labels = jax.random.randint(k2, (B, Q), 0, C, dtype=jnp.int32).astype(jnp.int64)
    valid_mask = jnp.ones((B, Q), dtype=bool)
    return {"all_logits": all_logits, "labels": labels, "valid_mask": valid_mask}


def reference(all_logits, labels, valid_mask):
    # all_logits: [MC, B, Q, C]
    all_probs = jax.nn.softmax(all_logits, axis=-1)
    mean_probs = jnp.mean(all_probs, axis=0)                       # [B, Q, C]
    # torch.var default is unbiased (ddof=1)
    uncertainty = jnp.mean(jnp.var(all_probs, axis=0, ddof=1), axis=-1)  # [B, Q]
    predicted_classes = jnp.argmax(mean_probs, axis=-1)            # [B, Q]
    confidence = jnp.max(mean_probs, axis=-1)                      # [B, Q]

    labels = labels.astype(predicted_classes.dtype)
    correct_mask = (predicted_classes == labels) & valid_mask
    high_conf_correct = correct_mask & (confidence > CONF_THR)

    neg_inf = jnp.float32(-jnp.inf)
    # positive sample per batch: highest-confidence among high-conf-correct queries
    masked_conf = jnp.where(high_conf_correct, confidence, neg_inf)  # [B, Q]
    pos_idx = jnp.argmax(masked_conf, axis=-1)                       # [B]
    has_pos = jnp.any(high_conf_correct, axis=-1)                    # [B]
    pos_idx = jnp.where(has_pos, pos_idx, -1).astype(jnp.int32)

    # negative samples: top-2 uncertainty among valid queries (masking invalid with -inf
    # is equivalent to subsetting uncertainty[b][valid_mask[b]] then mapping back)
    masked_unc = jnp.where(valid_mask, uncertainty, neg_inf)         # [B, Q]
    _, neg_idx = jax.lax.top_k(masked_unc, 2)                        # [B, 2]

    mean_logits = jnp.mean(all_logits, axis=0)                       # [B, Q, C]
    return (mean_logits, uncertainty, pos_idx, has_pos, neg_idx)

if __name__ == "__main__":
    import jax
    _d = setup_inputs()
    print(jax.jit(kernel)(*tuple(_d.values())))

</pallas_src>

<mosaic_0001>
#map = affine_map<(d0, d1) -> (0, 0)>
module attributes {stable_mosaic.version = 14 : i64} {
  func.func @_select_body(%arg0: i32, %arg1: i32, %arg2: memref<32x8192xf32, #tpu.memory_space<hbm>>, %arg3: memref<32x8192xf32, #tpu.memory_space<hbm>>, %arg4: memref<32x16xi32, #tpu.memory_space<hbm>>, %arg5: memref<8192xf32, #tpu.memory_space<vmem>>, %arg6: memref<8192xf32, #tpu.memory_space<vmem>>, %arg7: memref<16xi32, #tpu.memory_space<vmem>>) attributes {dimension_semantics = [#tpu.dimension_semantics<core_parallel>, #tpu.dimension_semantics<subcore_parallel>], iteration_bounds = array<i64: 2, 16>, scalar_prefetch = 0 : i64, scratch_operands = 3 : i64, tpu.core_type = #tpu.core_type<sc_vector_subcore>, window_params = [{transform_indices = #map}, {transform_indices = #map}, {transform_indices = #map}]} {
    %mul3A = arith.constant 2 : i32
    %mul3A_0 = arith.muli %arg1, %mul3A : i32
    %add3A = arith.addi %mul3A_0, %arg0 : i32
    "tpu.region"() ({
      %run_scoped3A = tpu.sem_alloc : memref<!tpu.dma_semaphore, #tpu.memory_space<semaphore_mem>>
      %dma_start3A = arith.constant 0 : i32
      %dma_start3A_87 = tpu.memref_slice %arg2[%add3A, %dma_start3A] : memref<32x8192xf32, #tpu.memory_space<hbm>> -> memref<1x8192xf32, #tpu.memory_space<hbm>>
      %dma_start3A_88 = tpu.memref_squeeze %dma_start3A_87 : memref<1x8192xf32, #tpu.memory_space<hbm>> -> memref<8192xf32, #tpu.memory_space<hbm>>
      %dma_start3A_89 = arith.constant 0 : i32
      %dma_start3A_90 = tpu.memref_slice %arg2[%add3A, %dma_start3A_89] : memref<32x8192xf32, #tpu.memory_space<hbm>> -> memref<1x8192xf32, #tpu.memory_space<hbm>>
      %dma_start3A_91 = tpu.memref_squeeze %dma_start3A_90 : memref<1x8192xf32, #tpu.memory_space<hbm>> -> memref<8192xf32, #tpu.memory_space<hbm>>
      tpu.enqueue_dma source(%dma_start3A_91 : memref<8192xf32, #tpu.memory_space<hbm>>) target(%arg5 : memref<8192xf32, #tpu.memory_space<vmem>>) target_semaphore(%run_scoped3A : memref<!tpu.dma_semaphore, #tpu.memory_space<semaphore_mem>>)
      %dma_wait3A = arith.constant 0 : i32
      %dma_wait3A_92 = tpu.memref_slice %arg2[%add3A, %dma_wait3A] : memref<32x8192xf32, #tpu.memory_space<hbm>> -> memref<1x8192xf32, #tpu.memory_space<hbm>>
      %dma_wait3A_93 = tpu.memref_squeeze %dma_wait3A_92 : memref<1x8192xf32, #tpu.memory_space<hbm>> -> memref<8192xf32, #tpu.memory_space<hbm>>
      %dma_wait3A_94 = arith.constant 0 : i32
      %dma_wait3A_95 = tpu.memref_slice %arg2[%add3A, %dma_wait3A_94] : memref<32x8192xf32, #tpu.memory_space<hbm>> -> memref<1x8192xf32, #tpu.memory_space<hbm>>
      %dma_wait3A_96 = tpu.memref_squeeze %dma_wait3A_95 : memref<1x8192xf32, #tpu.memory_space<hbm>> -> memref<8192xf32, #tpu.memory_space<hbm>>
      tpu.wait_dma2 semaphore(%run_scoped3A : memref<!tpu.dma_semaphore, #tpu.memory_space<semaphore_mem>>) src(%dma_wait3A_96 : memref<8192xf32, #tpu.memory_space<hbm>>) dst(%arg5 : memref<8192xf32, #tpu.memory_space<vmem>>)
      tpu.yield
    }) : () -> ()
    "tpu.region"() ({
      %run_scoped3A = tpu.sem_alloc : memref<!tpu.dma_semaphore, #tpu.memory_space<semaphore_mem>>
      %dma_start3A = arith.constant 0 : i32
      %dma_start3A_87 = tpu.memref_slice %arg3[%add3A, %dma_start3A] : memref<32x8192xf32, #tpu.memory_space<hbm>> -> memref<1x8192xf32, #tpu.memory_space<hbm>>
      %dma_start3A_88 = tpu.memref_squeeze %dma_start3A_87 : memref<1x8192xf32, #tpu.memory_space<hbm>> -> memref<8192xf32, #tpu.memory_space<hbm>>
      %dma_start3A_89 = arith.constant 0 : i32
      %dma_start3A_90 = tpu.memref_slice %arg3[%add3A, %dma_start3A_89] : memref<32x8192xf32, #tpu.memory_space<hbm>> -> memref<1x8192xf32, #tpu.memory_space<hbm>>
      %dma_start3A_91 = tpu.memref_squeeze %dma_start3A_90 : memref<1x8192xf32, #tpu.memory_space<hbm>> -> memref<8192xf32, #tpu.memory_space<hbm>>
      tpu.enqueue_dma source(%dma_start3A_91 : memref<8192xf32, #tpu.memory_space<hbm>>) target(%arg6 : memref<8192xf32, #tpu.memory_space<vmem>>) target_semaphore(%run_scoped3A : memref<!tpu.dma_semaphore, #tpu.memory_space<semaphore_mem>>)
      %dma_wait3A = arith.constant 0 : i32
      %dma_wait3A_92 = tpu.memref_slice %arg3[%add3A, %dma_wait3A] : memref<32x8192xf32, #tpu.memory_space<hbm>> -> memref<1x8192xf32, #tpu.memory_space<hbm>>
      %dma_wait3A_93 = tpu.memref_squeeze %dma_wait3A_92 : memref<1x8192xf32, #tpu.memory_space<hbm>> -> memref<8192xf32, #tpu.memory_space<hbm>>
      %dma_wait3A_94 = arith.constant 0 : i32
      %dma_wait3A_95 = tpu.memref_slice %arg3[%add3A, %dma_wait3A_94] : memref<32x8192xf32, #tpu.memory_space<hbm>> -> memref<1x8192xf32, #tpu.memory_space<hbm>>
      %dma_wait3A_96 = tpu.memref_squeeze %dma_wait3A_95 : memref<1x8192xf32, #tpu.memory_space<hbm>> -> memref<8192xf32, #tpu.memory_space<hbm>>
      tpu.wait_dma2 semaphore(%run_scoped3A : memref<!tpu.dma_semaphore, #tpu.memory_space<semaphore_mem>>) src(%dma_wait3A_96 : memref<8192xf32, #tpu.memory_space<hbm>>) dst(%arg6 : memref<8192xf32, #tpu.memory_space<vmem>>)
      tpu.yield
    }) : () -> ()
    %iota3A = tpu.iota {dimensions = array<i32: 0>} : vector<16xi32>
    %broadcast_in_dim3A = arith.constant 1073741824 : i32
    %broadcast_in_dim3A_1 = vector.broadcast %broadcast_in_dim3A : i32 to vector<16xi32>
    %broadcast_in_dim3A_2 = arith.constant 0xFF800000 : f32
    %broadcast_in_dim3A_3 = vector.broadcast %broadcast_in_dim3A_2 : f32 to vector<16xf32>
    %scan3A = arith.constant 0 : i32
    %scan3A_4 = arith.constant 512 : i32
    %scan3A_5 = arith.addi %scan3A, %scan3A_4 : i32
    %scan3A_6 = arith.constant 8 : i32
    %scan3A_7:4 = scf.for %scan3A_87 = %scan3A to %scan3A_5 step %scan3A_6 iter_args(%scan3A_88 = %broadcast_in_dim3A_3, %scan3A_89 = %broadcast_in_dim3A_1, %scan3A_90 = %broadcast_in_dim3A_3, %scan3A_91 = %broadcast_in_dim3A_1) -> (vector<16xf32>, vector<16xi32>, vector<16xf32>, vector<16xi32>)  : i32 {
      %mul3A_92 = arith.constant 16 : i32
      %mul3A_93 = arith.muli %scan3A_87, %mul3A_92 : i32
      %add3A_94 = vector.broadcast %mul3A_93 : i32 to vector<16xi32>
      %add3A_95 = arith.addi %iota3A, %add3A_94 : vector<16xi32>
      %get3A = arith.index_cast %mul3A_93 : i32 to index
      %get3A_96 = tpu.vector_load %arg5[%get3A] {strides = array<i32>} : memref<8192xf32, #tpu.memory_space<vmem>>, vector<16xf32>,
      %get3A_97 = arith.index_cast %mul3A_93 : i32 to index
      %get3A_98 = tpu.vector_load %arg6[%get3A_97] {strides = array<i32>} : memref<8192xf32, #tpu.memory_space<vmem>>, vector<16xf32>,
      %gt3A_99 = arith.cmpf ogt, %get3A_96, %scan3A_88 : vector<16xf32>
      %eq3A_100 = arith.cmpf oeq, %get3A_96, %scan3A_88 : vector<16xf32>
      %lt3A = arith.cmpi slt, %add3A_95, %scan3A_89 : vector<16xi32>
      %and3A = arith.andi %eq3A_100, %lt3A : vector<16xi1>
      %or3A = arith.ori %gt3A_99, %and3A : vector<16xi1>
      %select_n3A_101 = arith.select %or3A, %get3A_96, %scan3A_88 : vector<16xi1>, vector<16xf32>
      %select_n3A_102 = arith.select %or3A, %add3A_95, %scan3A_89 : vector<16xi1>, vector<16xi32>
      %gt3A_103 = arith.cmpf ogt, %get3A_98, %scan3A_90 : vector<16xf32>
      %eq3A_104 = arith.cmpf oeq, %get3A_98, %scan3A_90 : vector<16xf32>
      %lt3A_105 = arith.cmpi slt, %add3A_95, %scan3A_91 : vector<16xi32>
      %and3A_106 = arith.andi %eq3A_104, %lt3A_105 : vector<16xi1>
      %or3A_107 = arith.ori %gt3A_103, %and3A_106 : vector<16xi1>
      %select_n3A_108 = arith.select %or3A_107, %get3A_98, %scan3A_90 : vector<16xi1>, vector<16xf32>
      %select_n3A_109 = arith.select %or3A_107, %add3A_95, %scan3A_91 : vector<16xi1>, vector<16xi32>
      %scan3A_110 = arith.constant 1 : i32
      %scan3A_111 = arith.addi %scan3A_87, %scan3A_110 : i32
      %mul3A_112 = arith.constant 16 : i32
      %mul3A_113 = arith.muli %scan3A_111, %mul3A_112 : i32
      %add3A_114 = vector.broadcast %mul3A_113 : i32 to vector<16xi32>
      %add3A_115 = arith.addi %iota3A, %add3A_114 : vector<16xi32>
      %get3A_116 = arith.index_cast %mul3A_113 : i32 to index
      %get3A_117 = tpu.vector_load %arg5[%get3A_116] {strides = array<i32>} : memref<8192xf32, #tpu.memory_space<vmem>>, vector<16xf32>,
      %get3A_118 = arith.index_cast %mul3A_113 : i32 to index
      %get3A_119 = tpu.vector_load %arg6[%get3A_118] {strides = array<i32>} : memref<8192xf32, #tpu.memory_space<vmem>>, vector<16xf32>,
      %gt3A_120 = arith.cmpf ogt, %get3A_117, %select_n3A_101 : vector<16xf32>
      %eq3A_121 = arith.cmpf oeq, %get3A_117, %select_n3A_101 : vector<16xf32>
      %lt3A_122 = arith.cmpi slt, %add3A_115, %select_n3A_102 : vector<16xi32>
      %and3A_123 = arith.andi %eq3A_121, %lt3A_122 : vector<16xi1>
      %or3A_124 = arith.ori %gt3A_120, %and3A_123 : vector<16xi1>
      %select_n3A_125 = arith.select %or3A_124, %get3A_117, %select_n3A_101 : vector<16xi1>, vector<16xf32>
      %select_n3A_126 = arith.select %or3A_124, %add3A_115, %select_n3A_102 : vector<16xi1>, vector<16xi32>
      %gt3A_127 = arith.cmpf ogt, %get3A_119, %select_n3A_108 : vector<16xf32>
      %eq3A_128 = arith.cmpf oeq, %get3A_119, %select_n3A_108 : vector<16xf32>
      %lt3A_129 = arith.cmpi slt, %add3A_115, %select_n3A_109 : vector<16xi32>
      %and3A_130 = arith.andi %eq3A_128, %lt3A_129 : vector<16xi1>
      %or3A_131 = arith.ori %gt3A_127, %and3A_130 : vector<16xi1>
      %select_n3A_132 = arith.select %or3A_131, %get3A_119, %select_n3A_108 : vector<16xi1>, vector<16xf32>
      %select_n3A_133 = arith.select %or3A_131, %add3A_115, %select_n3A_109 : vector<16xi1>, vector<16xi32>
      %scan3A_134 = arith.constant 2 : i32
      %scan3A_135 = arith.addi %scan3A_87, %scan3A_134 : i32
      %mul3A_136 = arith.constant 16 : i32
      %mul3A_137 = arith.muli %scan3A_135, %mul3A_136 : i32
      %add3A_138 = vector.broadcast %mul3A_137 : i32 to vector<16xi32>
      %add3A_139 = arith.addi %iota3A, %add3A_138 : vector<16xi32>
      %get3A_140 = arith.index_cast %mul3A_137 : i32 to index
      %get3A_141 = tpu.vector_load %arg5[%get3A_140] {strides = array<i32>} : memref<8192xf32, #tpu.memory_space<vmem>>, vector<16xf32>,
      %get3A_142 = arith.index_cast %mul3A_137 : i32 to index
      %get3A_143 = tpu.vector_load %arg6[%get3A_142] {strides = array<i32>} : memref<8192xf32, #tpu.memory_space<vmem>>, vector<16xf32>,
      %gt3A_144 = arith.cmpf ogt, %get3A_141, %select_n3A_125 : vector<16xf32>
      %eq3A_145 = arith.cmpf oeq, %get3A_141, %select_n3A_125 : vector<16xf32>
      %lt3A_146 = arith.cmpi slt, %add3A_139, %select_n3A_126 : vector<16xi32>
      %and3A_147 = arith.andi %eq3A_145, %lt3A_146 : vector<16xi1>
      %or3A_148 = arith.ori %gt3A_144, %and3A_147 : vector<16xi1>
      %select_n3A_149 = arith.select %or3A_148, %get3A_141, %select_n3A_125 : vector<16xi1>, vector<16xf32>
      %select_n3A_150 = arith.select %or3A_148, %add3A_139, %select_n3A_126 : vector<16xi1>, vector<16xi32>
      %gt3A_151 = arith.cmpf ogt, %get3A_143, %select_n3A_132 : vector<16xf32>
      %eq3A_152 = arith.cmpf oeq, %get3A_143, %select_n3A_132 : vector<16xf32>
      %lt3A_153 = arith.cmpi slt, %add3A_139, %select_n3A_133 : vector<16xi32>
      %and3A_154 = arith.andi %eq3A_152, %lt3A_153 : vector<16xi1>
      %or3A_155 = arith.ori %gt3A_151, %and3A_154 : vector<16xi1>
      %select_n3A_156 = arith.select %or3A_155, %get3A_143, %select_n3A_132 : vector<16xi1>, vector<16xf32>
      %select_n3A_157 = arith.select %or3A_155, %add3A_139, %select_n3A_133 : vector<16xi1>, vector<16xi32>
      %scan3A_158 = arith.constant 3 : i32
      %scan3A_159 = arith.addi %scan3A_87, %scan3A_158 : i32
      %mul3A_160 = arith.constant 16 : i32
      %mul3A_161 = arith.muli %scan3A_159, %mul3A_160 : i32
      %add3A_162 = vector.broadcast %mul3A_161 : i32 to vector<16xi32>
      %add3A_163 = arith.addi %iota3A, %add3A_162 : vector<16xi32>
      %get3A_164 = arith.index_cast %mul3A_161 : i32 to index
      %get3A_165 = tpu.vector_load %arg5[%get3A_164] {strides = array<i32>} : memref<8192xf32, #tpu.memory_space<vmem>>, vector<16xf32>,
      %get3A_166 = arith.index_cast %mul3A_161 : i32 to index
      %get3A_167 = tpu.vector_load %arg6[%get3A_166] {strides = array<i32>} : memref<8192xf32, #tpu.memory_space<vmem>>, vector<16xf32>,
      %gt3A_168 = arith.cmpf ogt, %get3A_165, %select_n3A_149 : vector<16xf32>
      %eq3A_169 = arith.cmpf oeq, %get3A_165, %select_n3A_149 : vector<16xf32>
      %lt3A_170 = arith.cmpi slt, %add3A_163, %select_n3A_150 : vector<16xi32>
      %and3A_171 = arith.andi %eq3A_169, %lt3A_170 : vector<16xi1>
      %or3A_172 = arith.ori %gt3A_168, %and3A_171 : vector<16xi1>
      %select_n3A_173 = arith.select %or3A_172, %get3A_165, %select_n3A_149 : vector<16xi1>, vector<16xf32>
      %select_n3A_174 = arith.select %or3A_172, %add3A_163, %select_n3A_150 : vector<16xi1>, vector<16xi32>
      %gt3A_175 = arith.cmpf ogt, %get3A_167, %select_n3A_156 : vector<16xf32>
      %eq3A_176 = arith.cmpf oeq, %get3A_167, %select_n3A_156 : vector<16xf32>
      %lt3A_177 = arith.cmpi slt, %add3A_163, %select_n3A_157 : vector<16xi32>
      %and3A_178 = arith.andi %eq3A_176, %lt3A_177 : vector<16xi1>
      %or3A_179 = arith.ori %gt3A_175, %and3A_178 : vector<16xi1>
      %select_n3A_180 = arith.select %or3A_179, %get3A_167, %select_n3A_156 : vector<16xi1>, vector<16xf32>
      %select_n3A_181 = arith.select %or3A_179, %add3A_163, %select_n3A_157 : vector<16xi1>, vector<16xi32>
      %scan3A_182 = arith.constant 4 : i32
      %scan3A_183 = arith.addi %scan3A_87, %scan3A_182 : i32
      %mul3A_184 = arith.constant 16 : i32
      %mul3A_185 = arith.muli %scan3A_183, %mul3A_184 : i32
      %add3A_186 = vector.broadcast %mul3A_185 : i32 to vector<16xi32>
      %add3A_187 = arith.addi %iota3A, %add3A_186 : vector<16xi32>
      %get3A_188 = arith.index_cast %mul3A_185 : i32 to index
      %get3A_189 = tpu.vector_load %arg5[%get3A_188] {strides = array<i32>} : memref<8192xf32, #tpu.memory_space<vmem>>, vector<16xf32>,
      %get3A_190 = arith.index_cast %mul3A_185 : i32 to index
      %get3A_191 = tpu.vector_load %arg6[%get3A_190] {strides = array<i32>} : memref<8192xf32, #tpu.memory_space<vmem>>, vector<16xf32>,
      %gt3A_192 = arith.cmpf ogt, %get3A_189, %select_n3A_173 : vector<16xf32>
      %eq3A_193 = arith.cmpf oeq, %get3A_189, %select_n3A_173 : vector<16xf32>
      %lt3A_194 = arith.cmpi slt, %add3A_187, %select_n3A_174 : vector<16xi32>
      %and3A_195 = arith.andi %eq3A_193, %lt3A_194 : vector<16xi1>
      %or3A_196 = arith.ori %gt3A_192, %and3A_195 : vector<16xi1>
      %select_n3A_197 = arith.select %or3A_196, %get3A_189, %select_n3A_173 : vector<16xi1>, vector<16xf32>
      %select_n3A_198 = arith.select %or3A_196, %add3A_187, %select_n3A_174 : vector<16xi1>, vector<16xi32>
      %gt3A_199 = arith.cmpf ogt, %get3A_191, %select_n3A_180 : vector<16xf32>
      %eq3A_200 = arith.cmpf oeq, %get3A_191, %select_n3A_180 : vector<16xf32>
      %lt3A_201 = arith.cmpi slt, %add3A_187, %select_n3A_181 : vector<16xi32>
      %and3A_202 = arith.andi %eq3A_200, %lt3A_201 : vector<16xi1>
      %or3A_203 = arith.ori %gt3A_199, %and3A_202 : vector<16xi1>
      %select_n3A_204 = arith.select %or3A_203, %get3A_191, %select_n3A_180 : vector<16xi1>, vector<16xf32>
      %select_n3A_205 = arith.select %or3A_203, %add3A_187, %select_n3A_181 : vector<16xi1>, vector<16xi32>
      %scan3A_206 = arith.constant 5 : i32
      %scan3A_207 = arith.addi %scan3A_87, %scan3A_206 : i32
      %mul3A_208 = arith.constant 16 : i32
      %mul3A_209 = arith.muli %scan3A_207, %mul3A_208 : i32
      %add3A_210 = vector.broadcast %mul3A_209 : i32 to vector<16xi32>
      %add3A_211 = arith.addi %iota3A, %add3A_210 : vector<16xi32>
      %get3A_212 = arith.index_cast %mul3A_209 : i32 to index
      %get3A_213 = tpu.vector_load %arg5[%get3A_212] {strides = array<i32>} : memref<8192xf32, #tpu.memory_space<vmem>>, vector<16xf32>,
      %get3A_214 = arith.index_cast %mul3A_209 : i32 to index
      %get3A_215 = tpu.vector_load %arg6[%get3A_214] {strides = array<i32>} : memref<8192xf32, #tpu.memory_space<vmem>>, vector<16xf32>,
      %gt3A_216 = arith.cmpf ogt, %get3A_213, %select_n3A_197 : vector<16xf32>
      %eq3A_217 = arith.cmpf oeq, %get3A_213, %select_n3A_197 : vector<16xf32>
      %lt3A_218 = arith.cmpi slt, %add3A_211, %select_n3A_198 : vector<16xi32>
      %and3A_219 = arith.andi %eq3A_217, %lt3A_218 : vector<16xi1>
      %or3A_220 = arith.ori %gt3A_216, %and3A_219 : vector<16xi1>
      %select_n3A_221 = arith.select %or3A_220, %get3A_213, %select_n3A_197 : vector<16xi1>, vector<16xf32>
      %select_n3A_222 = arith.select %or3A_220, %add3A_211, %select_n3A_198 : vector<16xi1>, vector<16xi32>
      %gt3A_223 = arith.cmpf ogt, %get3A_215, %select_n3A_204 : vector<16xf32>
      %eq3A_224 = arith.cmpf oeq, %get3A_215, %select_n3A_204 : vector<16xf32>
      %lt3A_225 = arith.cmpi slt, %add3A_211, %select_n3A_205 : vector<16xi32>
      %and3A_226 = arith.andi %eq3A_224, %lt3A_225 : vector<16xi1>
      %or3A_227 = arith.ori %gt3A_223, %and3A_226 : vector<16xi1>
      %select_n3A_228 = arith.select %or3A_227, %get3A_215, %select_n3A_204 : vector<16xi1>, vector<16xf32>
      %select_n3A_229 = arith.select %or3A_227, %add3A_211, %select_n3A_205 : vector<16xi1>, vector<16xi32>
      %scan3A_230 = arith.constant 6 : i32
      %scan3A_231 = arith.addi %scan3A_87, %scan3A_230 : i32
      %mul3A_232 = arith.constant 16 : i32
      %mul3A_233 = arith.muli %scan3A_231, %mul3A_232 : i32
      %add3A_234 = vector.broadcast %mul3A_233 : i32 to vector<16xi32>
      %add3A_235 = arith.addi %iota3A, %add3A_234 : vector<16xi32>
      %get3A_236 = arith.index_cast %mul3A_233 : i32 to index
      %get3A_237 = tpu.vector_load %arg5[%get3A_236] {strides = array<i32>} : memref<8192xf32, #tpu.memory_space<vmem>>, vector<16xf32>,
      %get3A_238 = arith.index_cast %mul3A_233 : i32 to index
      %get3A_239 = tpu.vector_load %arg6[%get3A_238] {strides = array<i32>} : memref<8192xf32, #tpu.memory_space<vmem>>, vector<16xf32>,
      %gt3A_240 = arith.cmpf ogt, %get3A_237, %select_n3A_221 : vector<16xf32>
      %eq3A_241 = arith.cmpf oeq, %get3A_237, %select_n3A_221 : vector<16xf32>
      %lt3A_242 = arith.cmpi slt, %add3A_235, %select_n3A_222 : vector<16xi32>
      %and3A_243 = arith.andi %eq3A_241, %lt3A_242 : vector<16xi1>
      %or3A_244 = arith.ori %gt3A_240, %and3A_243 : vector<16xi1>
      %select_n3A_245 = arith.select %or3A_244, %get3A_237, %select_n3A_221 : vector<16xi1>, vector<16xf32>
      %select_n3A_246 = arith.select %or3A_244, %add3A_235, %select_n3A_222 : vector<16xi1>, vector<16xi32>
      %gt3A_247 = arith.cmpf ogt, %get3A_239, %select_n3A_228 : vector<16xf32>
      %eq3A_248 = arith.cmpf oeq, %get3A_239, %select_n3A_228 : vector<16xf32>
      %lt3A_249 = arith.cmpi slt, %add3A_235, %select_n3A_229 : vector<16xi32>
      %and3A_250 = arith.andi %eq3A_248, %lt3A_249 : vector<16xi1>
      %or3A_251 = arith.ori %gt3A_247, %and3A_250 : vector<16xi1>
      %select_n3A_252 = arith.select %or3A_251, %get3A_239, %select_n3A_228 : vector<16xi1>, vector<16xf32>
      %select_n3A_253 = arith.select %or3A_251, %add3A_235, %select_n3A_229 : vector<16xi1>, vector<16xi32>
      %scan3A_254 = arith.constant 7 : i32
      %scan3A_255 = arith.addi %scan3A_87, %scan3A_254 : i32
      %mul3A_256 = arith.constant 16 : i32
      %mul3A_257 = arith.muli %scan3A_255, %mul3A_256 : i32
      %add3A_258 = vector.broadcast %mul3A_257 : i32 to vector<16xi32>
      %add3A_259 = arith.addi %iota3A, %add3A_258 : vector<16xi32>
      %get3A_260 = arith.index_cast %mul3A_257 : i32 to index
      %get3A_261 = tpu.vector_load %arg5[%get3A_260] {strides = array<i32>} : memref<8192xf32, #tpu.memory_space<vmem>>, vector<16xf32>,
      %get3A_262 = arith.index_cast %mul3A_257 : i32 to index
      %get3A_263 = tpu.vector_load %arg6[%get3A_262] {strides = array<i32>} : memref<8192xf32, #tpu.memory_space<vmem>>, vector<16xf32>,
      %gt3A_264 = arith.cmpf ogt, %get3A_261, %select_n3A_245 : vector<16xf32>
      %eq3A_265 = arith.cmpf oeq, %get3A_261, %select_n3A_245 : vector<16xf32>
      %lt3A_266 = arith.cmpi slt, %add3A_259, %select_n3A_246 : vector<16xi32>
      %and3A_267 = arith.andi %eq3A_265, %lt3A_266 : vector<16xi1>
      %or3A_268 = arith.ori %gt3A_264, %and3A_267 : vector<16xi1>
      %select_n3A_269 = arith.select %or3A_268, %get3A_261, %select_n3A_245 : vector<16xi1>, vector<16xf32>
      %select_n3A_270 = arith.select %or3A_268, %add3A_259, %select_n3A_246 : vector<16xi1>, vector<16xi32>
      %gt3A_271 = arith.cmpf ogt, %get3A_263, %select_n3A_252 : vector<16xf32>
      %eq3A_272 = arith.cmpf oeq, %get3A_263, %select_n3A_252 : vector<16xf32>
      %lt3A_273 = arith.cmpi slt, %add3A_259, %select_n3A_253 : vector<16xi32>
      %and3A_274 = arith.andi %eq3A_272, %lt3A_273 : vector<16xi1>
      %or3A_275 = arith.ori %gt3A_271, %and3A_274 : vector<16xi1>
      %select_n3A_276 = arith.select %or3A_275, %get3A_263, %select_n3A_252 : vector<16xi1>, vector<16xf32>
      %select_n3A_277 = arith.select %or3A_275, %add3A_259, %select_n3A_253 : vector<16xi1>, vector<16xi32>
      scf.yield %select_n3A_269, %select_n3A_270, %select_n3A_276, %select_n3A_277 : vector<16xf32>, vector<16xi32>, vector<16xf32>, vector<16xi32>
    }
    %scan3A_8 = arith.constant 512 : i32
    %reduce_max3A = arith.constant true
    %reduce_max3A_9 = vector.broadcast %reduce_max3A : i1 to vector<16xi1>
    %reduce_max3A_10 = tpu.scan <max>, %scan3A_7#0 masked %reduce_max3A_9 : vector<16xf32>, vector<16xi1> -> vector<16xf32>
    %reduce_max3A_11 = vector.extract %reduce_max3A_10[15] : f32 from vector<16xf32>
    %eq3A = vector.broadcast %reduce_max3A_11 : f32 to vector<16xf32>
    %eq3A_12 = arith.cmpf oeq, %scan3A_7#0, %eq3A : vector<16xf32>
    %jit3A = arith.constant 1073741824 : i32
    %broadcast_in_dim3A_13 = vector.broadcast %jit3A : i32 to vector<16xi32>
    %select_n3A = arith.select %eq3A_12, %scan3A_7#1, %broadcast_in_dim3A_13 : vector<16xi1>, vector<16xi32>
    %reduce_min3A = arith.constant true
    %reduce_min3A_14 = vector.broadcast %reduce_min3A : i1 to vector<16xi1>
    %reduce_min3A_15 = arith.constant -2147483648 : i32
    %reduce_min3A_16 = vector.broadcast %reduce_min3A_15 : i32 to vector<16xi32>
    %reduce_min3A_17 = arith.xori %select_n3A, %reduce_min3A_16 : vector<16xi32>
    %reduce_min3A_18 = tpu.scan <min>, %reduce_min3A_17 masked %reduce_min3A_14 : vector<16xi32>, vector<16xi1> -> vector<16xi32>
    %reduce_min3A_19 = arith.xori %reduce_min3A_18, %reduce_min3A_16 : vector<16xi32>
    %reduce_min3A_20 = vector.extract %reduce_min3A_19[15] : i32 from vector<16xi32>
    %reduce_max3A_21 = arith.constant true
    %reduce_max3A_22 = vector.broadcast %reduce_max3A_21 : i1 to vector<16xi1>
    %reduce_max3A_23 = tpu.scan <max>, %scan3A_7#2 masked %reduce_max3A_22 : vector<16xf32>, vector<16xi1> -> vector<16xf32>
    %reduce_max3A_24 = vector.extract %reduce_max3A_23[15] : f32 from vector<16xf32>
    %eq3A_25 = vector.broadcast %reduce_max3A_24 : f32 to vector<16xf32>
    %eq3A_26 = arith.cmpf oeq, %scan3A_7#2, %eq3A_25 : vector<16xf32>
    %jit3A_27 = arith.constant 1073741824 : i32
    %broadcast_in_dim3A_28 = vector.broadcast %jit3A_27 : i32 to vector<16xi32>
    %select_n3A_29 = arith.select %eq3A_26, %scan3A_7#3, %broadcast_in_dim3A_28 : vector<16xi1>, vector<16xi32>
    %reduce_min3A_30 = arith.constant true
    %reduce_min3A_31 = vector.broadcast %reduce_min3A_30 : i1 to vector<16xi1>
    %reduce_min3A_32 = arith.constant -2147483648 : i32
    %reduce_min3A_33 = vector.broadcast %reduce_min3A_32 : i32 to vector<16xi32>
    %reduce_min3A_34 = arith.xori %select_n3A_29, %reduce_min3A_33 : vector<16xi32>
    %reduce_min3A_35 = tpu.scan <min>, %reduce_min3A_34 masked %reduce_min3A_31 : vector<16xi32>, vector<16xi1> -> vector<16xi32>
    %reduce_min3A_36 = arith.xori %reduce_min3A_35, %reduce_min3A_33 : vector<16xi32>
    %reduce_min3A_37 = vector.extract %reduce_min3A_36[15] : i32 from vector<16xi32>
    %scan3A_38 = arith.constant 0 : i32
    %scan3A_39 = arith.constant 512 : i32
    %scan3A_40 = arith.addi %scan3A_38, %scan3A_39 : i32
    %scan3A_41 = arith.constant 8 : i32
    %scan3A_42:2 = scf.for %scan3A_87 = %scan3A_38 to %scan3A_40 step %scan3A_41 iter_args(%scan3A_88 = %broadcast_in_dim3A_3, %scan3A_89 = %broadcast_in_dim3A_1) -> (vector<16xf32>, vector<16xi32>)  : i32 {
      %mul3A_90 = arith.constant 16 : i32
      %mul3A_91 = arith.muli %scan3A_87, %mul3A_90 : i32
      %add3A_92 = vector.broadcast %mul3A_91 : i32 to vector<16xi32>
      %add3A_93 = arith.addi %iota3A, %add3A_92 : vector<16xi32>
      %get3A = arith.index_cast %mul3A_91 : i32 to index
      %get3A_94 = tpu.vector_load %arg6[%get3A] {strides = array<i32>} : memref<8192xf32, #tpu.memory_space<vmem>>, vector<16xf32>,
      %eq3A_95 = vector.broadcast %reduce_min3A_37 : i32 to vector<16xi32>
      %eq3A_96 = arith.cmpi eq, %add3A_93, %eq3A_95 : vector<16xi32>
      %jit3A_97 = arith.constant 0xFF800000 : f32
      %broadcast_in_dim3A_98 = vector.broadcast %jit3A_97 : f32 to vector<16xf32>
      %select_n3A_99 = arith.select %eq3A_96, %broadcast_in_dim3A_98, %get3A_94 : vector<16xi1>, vector<16xf32>
      %gt3A_100 = arith.cmpf ogt, %select_n3A_99, %scan3A_88 : vector<16xf32>
      %eq3A_101 = arith.cmpf oeq, %select_n3A_99, %scan3A_88 : vector<16xf32>
      %lt3A = arith.cmpi slt, %add3A_93, %scan3A_89 : vector<16xi32>
      %and3A = arith.andi %eq3A_101, %lt3A : vector<16xi1>
      %or3A = arith.ori %gt3A_100, %and3A : vector<16xi1>
      %select_n3A_102 = arith.select %or3A, %select_n3A_99, %scan3A_88 : vector<16xi1>, vector<16xf32>
      %select_n3A_103 = arith.select %or3A, %add3A_93, %scan3A_89 : vector<16xi1>, vector<16xi32>
      %scan3A_104 = arith.constant 1 : i32
      %scan3A_105 = arith.addi %scan3A_87, %scan3A_104 : i32
      %mul3A_106 = arith.constant 16 : i32
      %mul3A_107 = arith.muli %scan3A_105, %mul3A_106 : i32
      %add3A_108 = vector.broadcast %mul3A_107 : i32 to vector<16xi32>
      %add3A_109 = arith.addi %iota3A, %add3A_108 : vector<16xi32>
      %get3A_110 = arith.index_cast %mul3A_107 : i32 to index
      %get3A_111 = tpu.vector_load %arg6[%get3A_110] {strides = array<i32>} : memref<8192xf32, #tpu.memory_space<vmem>>, vector<16xf32>,
      %eq3A_112 = vector.broadcast %reduce_min3A_37 : i32 to vector<16xi32>
      %eq3A_113 = arith.cmpi eq, %add3A_109, %eq3A_112 : vector<16xi32>
      %jit3A_114 = arith.constant 0xFF800000 : f32
      %broadcast_in_dim3A_115 = vector.broadcast %jit3A_114 : f32 to vector<16xf32>
      %select_n3A_116 = arith.select %eq3A_113, %broadcast_in_dim3A_115, %get3A_111 : vector<16xi1>, vector<16xf32>
      %gt3A_117 = arith.cmpf ogt, %select_n3A_116, %select_n3A_102 : vector<16xf32>
      %eq3A_118 = arith.cmpf oeq, %select_n3A_116, %select_n3A_102 : vector<16xf32>
      %lt3A_119 = arith.cmpi slt, %add3A_109, %select_n3A_103 : vector<16xi32>
      %and3A_120 = arith.andi %eq3A_118, %lt3A_119 : vector<16xi1>
      %or3A_121 = arith.ori %gt3A_117, %and3A_120 : vector<16xi1>
      %select_n3A_122 = arith.select %or3A_121, %select_n3A_116, %select_n3A_102 : vector<16xi1>, vector<16xf32>
      %select_n3A_123 = arith.select %or3A_121, %add3A_109, %select_n3A_103 : vector<16xi1>, vector<16xi32>
      %scan3A_124 = arith.constant 2 : i32
      %scan3A_125 = arith.addi %scan3A_87, %scan3A_124 : i32
      %mul3A_126 = arith.constant 16 : i32
      %mul3A_127 = arith.muli %scan3A_125, %mul3A_126 : i32
      %add3A_128 = vector.broadcast %mul3A_127 : i32 to vector<16xi32>
      %add3A_129 = arith.addi %iota3A, %add3A_128 : vector<16xi32>
      %get3A_130 = arith.index_cast %mul3A_127 : i32 to index
      %get3A_131 = tpu.vector_load %arg6[%get3A_130] {strides = array<i32>} : memref<8192xf32, #tpu.memory_space<vmem>>, vector<16xf32>,
      %eq3A_132 = vector.broadcast %reduce_min3A_37 : i32 to vector<16xi32>
      %eq3A_133 = arith.cmpi eq, %add3A_129, %eq3A_132 : vector<16xi32>
      %jit3A_134 = arith.constant 0xFF800000 : f32
      %broadcast_in_dim3A_135 = vector.broadcast %jit3A_134 : f32 to vector<16xf32>
      %select_n3A_136 = arith.select %eq3A_133, %broadcast_in_dim3A_135, %get3A_131 : vector<16xi1>, vector<16xf32>
      %gt3A_137 = arith.cmpf ogt, %select_n3A_136, %select_n3A_122 : vector<16xf32>
      %eq3A_138 = arith.cmpf oeq, %select_n3A_136, %select_n3A_122 : vector<16xf32>
      %lt3A_139 = arith.cmpi slt, %add3A_129, %select_n3A_123 : vector<16xi32>
      %and3A_140 = arith.andi %eq3A_138, %lt3A_139 : vector<16xi1>
      %or3A_141 = arith.ori %gt3A_137, %and3A_140 : vector<16xi1>
      %select_n3A_142 = arith.select %or3A_141, %select_n3A_136, %select_n3A_122 : vector<16xi1>, vector<16xf32>
      %select_n3A_143 = arith.select %or3A_141, %add3A_129, %select_n3A_123 : vector<16xi1>, vector<16xi32>
      %scan3A_144 = arith.constant 3 : i32
      %scan3A_145 = arith.addi %scan3A_87, %scan3A_144 : i32
      %mul3A_146 = arith.constant 16 : i32
      %mul3A_147 = arith.muli %scan3A_145, %mul3A_146 : i32
      %add3A_148 = vector.broadcast %mul3A_147 : i32 to vector<16xi32>
      %add3A_149 = arith.addi %iota3A, %add3A_148 : vector<16xi32>
      %get3A_150 = arith.index_cast %mul3A_147 : i32 to index
      %get3A_151 = tpu.vector_load %arg6[%get3A_150] {strides = array<i32>} : memref<8192xf32, #tpu.memory_space<vmem>>, vector<16xf32>,
      %eq3A_152 = vector.broadcast %reduce_min3A_37 : i32 to vector<16xi32>
      %eq3A_153 = arith.cmpi eq, %add3A_149, %eq3A_152 : vector<16xi32>
      %jit3A_154 = arith.constant 0xFF800000 : f32
      %broadcast_in_dim3A_155 = vector.broadcast %jit3A_154 : f32 to vector<16xf32>
      %select_n3A_156 = arith.select %eq3A_153, %broadcast_in_dim3A_155, %get3A_151 : vector<16xi1>, vector<16xf32>
      %gt3A_157 = arith.cmpf ogt, %select_n3A_156, %select_n3A_142 : vector<16xf32>
      %eq3A_158 = arith.cmpf oeq, %select_n3A_156, %select_n3A_142 : vector<16xf32>
      %lt3A_159 = arith.cmpi slt, %add3A_149, %select_n3A_143 : vector<16xi32>
      %and3A_160 = arith.andi %eq3A_158, %lt3A_159 : vector<16xi1>
      %or3A_161 = arith.ori %gt3A_157, %and3A_160 : vector<16xi1>
      %select_n3A_162 = arith.select %or3A_161, %select_n3A_156, %select_n3A_142 : vector<16xi1>, vector<16xf32>
      %select_n3A_163 = arith.select %or3A_161, %add3A_149, %select_n3A_143 : vector<16xi1>, vector<16xi32>
      %scan3A_164 = arith.constant 4 : i32
      %scan3A_165 = arith.addi %scan3A_87, %scan3A_164 : i32
      %mul3A_166 = arith.constant 16 : i32
      %mul3A_167 = arith.muli %scan3A_165, %mul3A_166 : i32
      %add3A_168 = vector.broadcast %mul3A_167 : i32 to vector<16xi32>
      %add3A_169 = arith.addi %iota3A, %add3A_168 : vector<16xi32>
      %get3A_170 = arith.index_cast %mul3A_167 : i32 to index
      %get3A_171 = tpu.vector_load %arg6[%get3A_170] {strides = array<i32>} : memref<8192xf32, #tpu.memory_space<vmem>>, vector<16xf32>,
      %eq3A_172 = vector.broadcast %reduce_min3A_37 : i32 to vector<16xi32>
      %eq3A_173 = arith.cmpi eq, %add3A_169, %eq3A_172 : vector<16xi32>
      %jit3A_174 = arith.constant 0xFF800000 : f32
      %broadcast_in_dim3A_175 = vector.broadcast %jit3A_174 : f32 to vector<16xf32>
      %select_n3A_176 = arith.select %eq3A_173, %broadcast_in_dim3A_175, %get3A_171 : vector<16xi1>, vector<16xf32>
      %gt3A_177 = arith.cmpf ogt, %select_n3A_176, %select_n3A_162 : vector<16xf32>
      %eq3A_178 = arith.cmpf oeq, %select_n3A_176, %select_n3A_162 : vector<16xf32>
      %lt3A_179 = arith.cmpi slt, %add3A_169, %select_n3A_163 : vector<16xi32>
      %and3A_180 = arith.andi %eq3A_178, %lt3A_179 : vector<16xi1>
      %or3A_181 = arith.ori %gt3A_177, %and3A_180 : vector<16xi1>
      %select_n3A_182 = arith.select %or3A_181, %select_n3A_176, %select_n3A_162 : vector<16xi1>, vector<16xf32>
      %select_n3A_183 = arith.select %or3A_181, %add3A_169, %select_n3A_163 : vector<16xi1>, vector<16xi32>
      %scan3A_184 = arith.constant 5 : i32
      %scan3A_185 = arith.addi %scan3A_87, %scan3A_184 : i32
      %mul3A_186 = arith.constant 16 : i32
      %mul3A_187 = arith.muli %scan3A_185, %mul3A_186 : i32
      %add3A_188 = vector.broadcast %mul3A_187 : i32 to vector<16xi32>
      %add3A_189 = arith.addi %iota3A, %add3A_188 : vector<16xi32>
      %get3A_190 = arith.index_cast %mul3A_187 : i32 to index
      %get3A_191 = tpu.vector_load %arg6[%get3A_190] {strides = array<i32>} : memref<8192xf32, #tpu.memory_space<vmem>>, vector<16xf32>,
      %eq3A_192 = vector.broadcast %reduce_min3A_37 : i32 to vector<16xi32>
      %eq3A_193 = arith.cmpi eq, %add3A_189, %eq3A_192 : vector<16xi32>
      %jit3A_194 = arith.constant 0xFF800000 : f32
      %broadcast_in_dim3A_195 = vector.broadcast %jit3A_194 : f32 to vector<16xf32>
      %select_n3A_196 = arith.select %eq3A_193, %broadcast_in_dim3A_195, %get3A_191 : vector<16xi1>, vector<16xf32>
      %gt3A_197 = arith.cmpf ogt, %select_n3A_196, %select_n3A_182 : vector<16xf32>
      %eq3A_198 = arith.cmpf oeq, %select_n3A_196, %select_n3A_182 : vector<16xf32>
      %lt3A_199 = arith.cmpi slt, %add3A_189, %select_n3A_183 : vector<16xi32>
      %and3A_200 = arith.andi %eq3A_198, %lt3A_199 : vector<16xi1>
      %or3A_201 = arith.ori %gt3A_197, %and3A_200 : vector<16xi1>
      %select_n3A_202 = arith.select %or3A_201, %select_n3A_196, %select_n3A_182 : vector<16xi1>, vector<16xf32>
      %select_n3A_203 = arith.select %or3A_201, %add3A_189, %select_n3A_183 : vector<16xi1>, vector<16xi32>
      %scan3A_204 = arith.constant 6 : i32
      %scan3A_205 = arith.addi %scan3A_87, %scan3A_204 : i32
      %mul3A_206 = arith.constant 16 : i32
      %mul3A_207 = arith.muli %scan3A_205, %mul3A_206 : i32
      %add3A_208 = vector.broadcast %mul3A_207 : i32 to vector<16xi32>
      %add3A_209 = arith.addi %iota3A, %add3A_208 : vector<16xi32>
      %get3A_210 = arith.index_cast %mul3A_207 : i32 to index
      %get3A_211 = tpu.vector_load %arg6[%get3A_210] {strides = array<i32>} : memref<8192xf32, #tpu.memory_space<vmem>>, vector<16xf32>,
      %eq3A_212 = vector.broadcast %reduce_min3A_37 : i32 to vector<16xi32>
      %eq3A_213 = arith.cmpi eq, %add3A_209, %eq3A_212 : vector<16xi32>
      %jit3A_214 = arith.constant 0xFF800000 : f32
      %broadcast_in_dim3A_215 = vector.broadcast %jit3A_214 : f32 to vector<16xf32>
      %select_n3A_216 = arith.select %eq3A_213, %broadcast_in_dim3A_215, %get3A_211 : vector<16xi1>, vector<16xf32>
      %gt3A_217 = arith.cmpf ogt, %select_n3A_216, %select_n3A_202 : vector<16xf32>
      %eq3A_218 = arith.cmpf oeq, %select_n3A_216, %select_n3A_202 : vector<16xf32>
      %lt3A_219 = arith.cmpi slt, %add3A_209, %select_n3A_203 : vector<16xi32>
      %and3A_220 = arith.andi %eq3A_218, %lt3A_219 : vector<16xi1>
      %or3A_221 = arith.ori %gt3A_217, %and3A_220 : vector<16xi1>
      %select_n3A_222 = arith.select %or3A_221, %select_n3A_216, %select_n3A_202 : vector<16xi1>, vector<16xf32>
      %select_n3A_223 = arith.select %or3A_221, %add3A_209, %select_n3A_203 : vector<16xi1>, vector<16xi32>
      %scan3A_224 = arith.constant 7 : i32
      %scan3A_225 = arith.addi %scan3A_87, %scan3A_224 : i32
      %mul3A_226 = arith.constant 16 : i32
      %mul3A_227 = arith.muli %scan3A_225, %mul3A_226 : i32
      %add3A_228 = vector.broadcast %mul3A_227 : i32 to vector<16xi32>
      %add3A_229 = arith.addi %iota3A, %add3A_228 : vector<16xi32>
      %get3A_230 = arith.index_cast %mul3A_227 : i32 to index
      %get3A_231 = tpu.vector_load %arg6[%get3A_230] {strides = array<i32>} : memref<8192xf32, #tpu.memory_space<vmem>>, vector<16xf32>,
      %eq3A_232 = vector.broadcast %reduce_min3A_37 : i32 to vector<16xi32>
      %eq3A_233 = arith.cmpi eq, %add3A_229, %eq3A_232 : vector<16xi32>
      %jit3A_234 = arith.constant 0xFF800000 : f32
      %broadcast_in_dim3A_235 = vector.broadcast %jit3A_234 : f32 to vector<16xf32>
      %select_n3A_236 = arith.select %eq3A_233, %broadcast_in_dim3A_235, %get3A_231 : vector<16xi1>, vector<16xf32>
      %gt3A_237 = arith.cmpf ogt, %select_n3A_236, %select_n3A_222 : vector<16xf32>
      %eq3A_238 = arith.cmpf oeq, %select_n3A_236, %select_n3A_222 : vector<16xf32>
      %lt3A_239 = arith.cmpi slt, %add3A_229, %select_n3A_223 : vector<16xi32>
      %and3A_240 = arith.andi %eq3A_238, %lt3A_239 : vector<16xi1>
      %or3A_241 = arith.ori %gt3A_237, %and3A_240 : vector<16xi1>
      %select_n3A_242 = arith.select %or3A_241, %select_n3A_236, %select_n3A_222 : vector<16xi1>, vector<16xf32>
      %select_n3A_243 = arith.select %or3A_241, %add3A_229, %select_n3A_223 : vector<16xi1>, vector<16xi32>
      scf.yield %select_n3A_242, %select_n3A_243 : vector<16xf32>, vector<16xi32>
    }
    %scan3A_43 = arith.constant 512 : i32
    %reduce_max3A_44 = arith.constant true
    %reduce_max3A_45 = vector.broadcast %reduce_max3A_44 : i1 to vector<16xi1>
    %reduce_max3A_46 = tpu.scan <max>, %scan3A_42#0 masked %reduce_max3A_45 : vector<16xf32>, vector<16xi1> -> vector<16xf32>
    %reduce_max3A_47 = vector.extract %reduce_max3A_46[15] : f32 from vector<16xf32>
    %eq3A_48 = vector.broadcast %reduce_max3A_47 : f32 to vector<16xf32>
    %eq3A_49 = arith.cmpf oeq, %scan3A_42#0, %eq3A_48 : vector<16xf32>
    %jit3A_50 = arith.constant 1073741824 : i32
    %broadcast_in_dim3A_51 = vector.broadcast %jit3A_50 : i32 to vector<16xi32>
    %select_n3A_52 = arith.select %eq3A_49, %scan3A_42#1, %broadcast_in_dim3A_51 : vector<16xi1>, vector<16xi32>
    %reduce_min3A_53 = arith.constant true
    %reduce_min3A_54 = vector.broadcast %reduce_min3A_53 : i1 to vector<16xi1>
    %reduce_min3A_55 = arith.constant -2147483648 : i32
    %reduce_min3A_56 = vector.broadcast %reduce_min3A_55 : i32 to vector<16xi32>
    %reduce_min3A_57 = arith.xori %select_n3A_52, %reduce_min3A_56 : vector<16xi32>
    %reduce_min3A_58 = tpu.scan <min>, %reduce_min3A_57 masked %reduce_min3A_54 : vector<16xi32>, vector<16xi1> -> vector<16xi32>
    %reduce_min3A_59 = arith.xori %reduce_min3A_58, %reduce_min3A_56 : vector<16xi32>
    %reduce_min3A_60 = vector.extract %reduce_min3A_59[15] : i32 from vector<16xi32>
    %gt3A = arith.constant 0.000000e+00 : f32
    %gt3A_61 = arith.cmpf ogt, %reduce_max3A_11, %gt3A : f32
    %jit3A_62 = arith.constant -1 : i32
    %select_n3A_63 = arith.select %gt3A_61, %reduce_min3A_20, %jit3A_62 : i32
    %eq3A_64 = arith.constant 0 : i32
    %eq3A_65 = vector.broadcast %eq3A_64 : i32 to vector<16xi32>
    %eq3A_66 = arith.cmpi eq, %iota3A, %eq3A_65 : vector<16xi32>
    %eq3A_67 = arith.constant 1 : i32
    %eq3A_68 = vector.broadcast %eq3A_67 : i32 to vector<16xi32>
    %eq3A_69 = arith.cmpi eq, %iota3A, %eq3A_68 : vector<16xi32>
    %convert_element_type3A = arith.extui %gt3A_61 : i1 to i32
    %eq3A_70 = arith.constant 2 : i32
    %eq3A_71 = vector.broadcast %eq3A_70 : i32 to vector<16xi32>
    %eq3A_72 = arith.cmpi eq, %iota3A, %eq3A_71 : vector<16xi32>
    %eq3A_73 = arith.constant 3 : i32
    %eq3A_74 = vector.broadcast %eq3A_73 : i32 to vector<16xi32>
    %eq3A_75 = arith.cmpi eq, %iota3A, %eq3A_74 : vector<16xi32>
    %jit3A_76 = arith.constant 0 : i32
    %broadcast_in_dim3A_77 = vector.broadcast %reduce_min3A_60 : i32 to vector<16xi32>
    %broadcast_in_dim3A_78 = vector.broadcast %jit3A_76 : i32 to vector<16xi32>
    %select_n3A_79 = arith.select %eq3A_75, %broadcast_in_dim3A_77, %broadcast_in_dim3A_78 : vector<16xi1>, vector<16xi32>
    %broadcast_in_dim3A_80 = vector.broadcast %reduce_min3A_37 : i32 to vector<16xi32>
    %select_n3A_81 = arith.select %eq3A_72, %broadcast_in_dim3A_80, %select_n3A_79 : vector<16xi1>, vector<16xi32>
    %broadcast_in_dim3A_82 = vector.broadcast %convert_element_type3A : i32 to vector<16xi32>
    %select_n3A_83 = arith.select %eq3A_69, %broadcast_in_dim3A_82, %select_n3A_81 : vector<16xi1>, vector<16xi32>
    %broadcast_in_dim3A_84 = vector.broadcast %select_n3A_63 : i32 to vector<16xi32>
    %select_n3A_85 = arith.select %eq3A_66, %broadcast_in_dim3A_84, %select_n3A_83 : vector<16xi1>, vector<16xi32>
    %swap3A = arith.constant 0 : index
    %swap3A_86 = tpu.vector_load %arg7[%swap3A] {strides = array<i32>} : memref<16xi32, #tpu.memory_space<vmem>>, vector<16xi32>,
    tpu.vector_store %arg7[%swap3A], %select_n3A_85 {strides = array<i32>} : memref<16xi32, #tpu.memory_space<vmem>>, vector<16xi32>,
    "tpu.region"() ({
      %run_scoped3A = tpu.sem_alloc : memref<!tpu.dma_semaphore, #tpu.memory_space<semaphore_mem>>
      %dma_start3A = arith.constant 0 : i32
      %dma_start3A_87 = tpu.memref_slice %arg4[%add3A, %dma_start3A] : memref<32x16xi32, #tpu.memory_space<hbm>> -> memref<1x16xi32, #tpu.memory_space<hbm>>
      %dma_start3A_88 = tpu.memref_squeeze %dma_start3A_87 : memref<1x16xi32, #tpu.memory_space<hbm>> -> memref<16xi32, #tpu.memory_space<hbm>>
      %dma_start3A_89 = arith.constant 0 : i32
      %dma_start3A_90 = tpu.memref_slice %arg4[%add3A, %dma_start3A_89] : memref<32x16xi32, #tpu.memory_space<hbm>> -> memref<1x16xi32, #tpu.memory_space<hbm>>
      %dma_start3A_91 = tpu.memref_squeeze %dma_start3A_90 : memref<1x16xi32, #tpu.memory_space<hbm>> -> memref<16xi32, #tpu.memory_space<hbm>>
      tpu.enqueue_dma source(%arg7 : memref<16xi32, #tpu.memory_space<vmem>>) target(%dma_start3A_91 : memref<16xi32, #tpu.memory_space<hbm>>) target_semaphore(%run_scoped3A : memref<!tpu.dma_semaphore, #tpu.memory_space<semaphore_mem>>)
      %dma_wait3A = arith.constant 0 : i32
      %dma_wait3A_92 = tpu.memref_slice %arg4[%add3A, %dma_wait3A] : memref<32x16xi32, #tpu.memory_space<hbm>> -> memref<1x16xi32, #tpu.memory_space<hbm>>
      %dma_wait3A_93 = tpu.memref_squeeze %dma_wait3A_92 : memref<1x16xi32, #tpu.memory_space<hbm>> -> memref<16xi32, #tpu.memory_space<hbm>>
      %dma_wait3A_94 = arith.constant 0 : i32
      %dma_wait3A_95 = tpu.memref_slice %arg4[%add3A, %dma_wait3A_94] : memref<32x16xi32, #tpu.memory_space<hbm>> -> memref<1x16xi32, #tpu.memory_space<hbm>>
      %dma_wait3A_96 = tpu.memref_squeeze %dma_wait3A_95 : memref<1x16xi32, #tpu.memory_space<hbm>> -> memref<16xi32, #tpu.memory_space<hbm>>
      tpu.wait_dma2 semaphore(%run_scoped3A : memref<!tpu.dma_semaphore, #tpu.memory_space<semaphore_mem>>) src(%arg7 : memref<16xi32, #tpu.memory_space<vmem>>) dst(%dma_wait3A_96 : memref<16xi32, #tpu.memory_space<hbm>>)
      tpu.yield
    }) : () -> ()
    return
  }
}

module attributes {stable_mosaic.version = 14 : i64} {
  func.func @_dense_body(%arg0: i32, %arg1: i32, %arg2: memref<5x8x16x2048xf32, #tpu.memory_space<vmem>>, %arg3: memref<8x2048xi32, #tpu.memory_space<vmem>>, %arg4: memref<8x2048xi32, #tpu.memory_space<vmem>>, %arg5: memref<8x16x2048xf32, #tpu.memory_space<vmem>>, %arg6: memref<8x2048xf32, #tpu.memory_space<vmem>>, %arg7: memref<8x2048xf32, #tpu.memory_space<vmem>>, %arg8: memref<8x2048xf32, #tpu.memory_space<vmem>>) attributes {dimension_semantics = [#tpu.dimension_semantics<parallel>, #tpu.dimension_semantics<parallel>], iteration_bounds = array<i64: 4, 4>, scalar_prefetch = 0 : i64, scratch_operands = 0 : i64, tpu.core_type = #tpu.core_type<tc>, window_params = [{transform_indices = @transform_0, window_bounds = array<i64: 5, 8, 16, 2048>}, {transform_indices = @transform_1, window_bounds = array<i64: 8, 2048>}, {transform_indices = @transform_2, window_bounds = array<i64: 8, 2048>}, {transform_indices = @transform_3, window_bounds = array<i64: 8, 16, 2048>}, {transform_indices = @transform_4, window_bounds = array<i64: 8, 2048>}, {transform_indices = @transform_5, window_bounds = array<i64: 8, 2048>}, {transform_indices = @transform_6, window_bounds = array<i64: 8, 2048>}]} {
    %get3A = arith.constant 0 : index
    %get3A_0 = arith.constant 0 : index
    %get3A_1 = arith.constant 0 : index
    %get3A_2 = arith.constant 0 : index
    %get3A_3 = vector.load %arg2[%get3A, %get3A_0, %get3A_1, %get3A_2] : memref<5x8x16x2048xf32, #tpu.memory_space<vmem>>, vector<5x8x16x2048xf32>
    %exp3A = math.exp %get3A_3 : vector<5x8x16x2048xf32>
    %reduce_sum3A = arith.constant dense<0.000000e+00> : vector<5x8x2048xf32>
    %reduce_sum3A_4 = vector.multi_reduction <add>, %exp3A, %reduce_sum3A [2] : vector<5x8x16x2048xf32> to vector<5x8x2048xf32>
    %broadcast_in_dim3A = arith.constant 0.000000e+00 : f32
    %broadcast_in_dim3A_5 = vector.broadcast %broadcast_in_dim3A : f32 to vector<8x16x2048xf32>
    %broadcast_in_dim3A_6 = arith.constant 0.000000e+00 : f32
    %broadcast_in_dim3A_7 = vector.broadcast %broadcast_in_dim3A_6 : f32 to vector<8x16x2048xf32>
    %slice3A = vector.extract_strided_slice %exp3A {offsets = [0, 0, 0, 0], sizes = [1, 8, 16, 2048], strides = [1, 1, 1, 1]} : vector<5x8x16x2048xf32> to vector<1x8x16x2048xf32>
    %squeeze3A = vector.shape_cast %slice3A : vector<1x8x16x2048xf32> to vector<8x16x2048xf32>
    %slice3A_8 = vector.extract_strided_slice %reduce_sum3A_4 {offsets = [0, 0, 0], sizes = [1, 8, 2048], strides = [1, 1, 1]} : vector<5x8x2048xf32> to vector<1x8x2048xf32>
    %squeeze3A_9 = vector.shape_cast %slice3A_8 : vector<1x8x2048xf32> to vector<8x2048xf32>
    %broadcast_in_dim3A_10 = vector.shape_cast %squeeze3A_9 : vector<8x2048xf32> to vector<8x1x2048xf32>
    %div3A = vector.broadcast %broadcast_in_dim3A_10 : vector<8x1x2048xf32> to vector<8x16x2048xf32>
    %div3A_11 = arith.divf %squeeze3A, %div3A : vector<8x16x2048xf32>
    %add3A = arith.addf %broadcast_in_dim3A_5, %div3A_11 : vector<8x16x2048xf32>
    %mul3A = arith.mulf %div3A_11, %div3A_11 : vector<8x16x2048xf32>
    %add3A_12 = arith.addf %broadcast_in_dim3A_7, %mul3A : vector<8x16x2048xf32>
    %slice3A_13 = vector.extract_strided_slice %exp3A {offsets = [1, 0, 0, 0], sizes = [1, 8, 16, 2048], strides = [1, 1, 1, 1]} : vector<5x8x16x2048xf32> to vector<1x8x16x2048xf32>
    %squeeze3A_14 = vector.shape_cast %slice3A_13 : vector<1x8x16x2048xf32> to vector<8x16x2048xf32>
    %slice3A_15 = vector.extract_strided_slice %reduce_sum3A_4 {offsets = [1, 0, 0], sizes = [1, 8, 2048], strides = [1, 1, 1]} : vector<5x8x2048xf32> to vector<1x8x2048xf32>
    %squeeze3A_16 = vector.shape_cast %slice3A_15 : vector<1x8x2048xf32> to vector<8x2048xf32>
    %broadcast_in_dim3A_17 = vector.shape_cast %squeeze3A_16 : vector<8x2048xf32> to vector<8x1x2048xf32>
    %div3A_18 = vector.broadcast %broadcast_in_dim3A_17 : vector<8x1x2048xf32> to vector<8x16x2048xf32>
    %div3A_19 = arith.divf %squeeze3A_14, %div3A_18 : vector<8x16x2048xf32>
    %add3A_20 = arith.addf %add3A, %div3A_19 : vector<8x16x2048xf32>
    %mul3A_21 = arith.mulf %div3A_19, %div3A_19 : vector<8x16x2048xf32>
    %add3A_22 = arith.addf %add3A_12, %mul3A_21 : vector<8x16x2048xf32>
    %slice3A_23 = vector.extract_strided_slice %exp3A {offsets = [2, 0, 0, 0], sizes = [1, 8, 16, 2048], strides = [1, 1, 1, 1]} : vector<5x8x16x2048xf32> to vector<1x8x16x2048xf32>
    %squeeze3A_24 = vector.shape_cast %slice3A_23 : vector<1x8x16x2048xf32> to vector<8x16x2048xf32>
    %slice3A_25 = vector.extract_strided_slice %reduce_sum3A_4 {offsets = [2, 0, 0], sizes = [1, 8, 2048], strides = [1, 1, 1]} : vector<5x8x2048xf32> to vector<1x8x2048xf32>
    %squeeze3A_26 = vector.shape_cast %slice3A_25 : vector<1x8x2048xf32> to vector<8x2048xf32>
    %broadcast_in_dim3A_27 = vector.shape_cast %squeeze3A_26 : vector<8x2048xf32> to vector<8x1x2048xf32>
    %div3A_28 = vector.broadcast %broadcast_in_dim3A_27 : vector<8x1x2048xf32> to vector<8x16x2048xf32>
    %div3A_29 = arith.divf %squeeze3A_24, %div3A_28 : vector<8x16x2048xf32>
    %add3A_30 = arith.addf %add3A_20, %div3A_29 : vector<8x16x2048xf32>
    %mul3A_31 = arith.mulf %div3A_29, %div3A_29 : vector<8x16x2048xf32>
    %add3A_32 = arith.addf %add3A_22, %mul3A_31 : vector<8x16x2048xf32>
    %slice3A_33 = vector.extract_strided_slice %exp3A {offsets = [3, 0, 0, 0], sizes = [1, 8, 16, 2048], strides = [1, 1, 1, 1]} : vector<5x8x16x2048xf32> to vector<1x8x16x2048xf32>
    %squeeze3A_34 = vector.shape_cast %slice3A_33 : vector<1x8x16x2048xf32> to vector<8x16x2048xf32>
    %slice3A_35 = vector.extract_strided_slice %reduce_sum3A_4 {offsets = [3, 0, 0], sizes = [1, 8, 2048], strides = [1, 1, 1]} : vector<5x8x2048xf32> to vector<1x8x2048xf32>
    %squeeze3A_36 = vector.shape_cast %slice3A_35 : vector<1x8x2048xf32> to vector<8x2048xf32>
    %broadcast_in_dim3A_37 = vector.shape_cast %squeeze3A_36 : vector<8x2048xf32> to vector<8x1x2048xf32>
    %div3A_38 = vector.broadcast %broadcast_in_dim3A_37 : vector<8x1x2048xf32> to vector<8x16x2048xf32>
    %div3A_39 = arith.divf %squeeze3A_34, %div3A_38 : vector<8x16x2048xf32>
    %add3A_40 = arith.addf %add3A_30, %div3A_39 : vector<8x16x2048xf32>
    %mul3A_41 = arith.mulf %div3A_39, %div3A_39 : vector<8x16x2048xf32>
    %add3A_42 = arith.addf %add3A_32, %mul3A_41 : vector<8x16x2048xf32>
    %slice3A_43 = vector.extract_strided_slice %exp3A {offsets = [4, 0, 0, 0], sizes = [1, 8, 16, 2048], strides = [1, 1, 1, 1]} : vector<5x8x16x2048xf32> to vector<1x8x16x2048xf32>
    %squeeze3A_44 = vector.shape_cast %slice3A_43 : vector<1x8x16x2048xf32> to vector<8x16x2048xf32>
    %slice3A_45 = vector.extract_strided_slice %reduce_sum3A_4 {offsets = [4, 0, 0], sizes = [1, 8, 2048], strides = [1, 1, 1]} : vector<5x8x2048xf32> to vector<1x8x2048xf32>
    %squeeze3A_46 = vector.shape_cast %slice3A_45 : vector<1x8x2048xf32> to vector<8x2048xf32>
    %broadcast_in_dim3A_47 = vector.shape_cast %squeeze3A_46 : vector<8x2048xf32> to vector<8x1x2048xf32>
    %div3A_48 = vector.broadcast %broadcast_in_dim3A_47 : vector<8x1x2048xf32> to vector<8x16x2048xf32>
    %div3A_49 = arith.divf %squeeze3A_44, %div3A_48 : vector<8x16x2048xf32>
    %add3A_50 = arith.addf %add3A_40, %div3A_49 : vector<8x16x2048xf32>
    %mul3A_51 = arith.mulf %div3A_49, %div3A_49 : vector<8x16x2048xf32>
    %add3A_52 = arith.addf %add3A_42, %mul3A_51 : vector<8x16x2048xf32>
    %mul3A_53 = arith.constant 2.000000e-01 : f32
    %mul3A_54 = vector.broadcast %mul3A_53 : f32 to vector<8x16x2048xf32>
    %mul3A_55 = arith.mulf %add3A_50, %mul3A_54 : vector<8x16x2048xf32>
    %mul3A_56 = arith.mulf %mul3A_55, %add3A_50 : vector<8x16x2048xf32>
    %sub3A = arith.subf %add3A_52, %mul3A_56 : vector<8x16x2048xf32>
    %reduce_sum3A_57 = arith.constant dense<0.000000e+00> : vector<8x2048xf32>
    %reduce_sum3A_58 = vector.multi_reduction <add>, %sub3A, %reduce_sum3A_57 [1] : vector<8x16x2048xf32> to vector<8x2048xf32>
    %mul3A_59 = arith.constant 1.562500e-02 : f32
    %mul3A_60 = vector.broadcast %mul3A_59 : f32 to vector<8x2048xf32>
    %mul3A_61 = arith.mulf %reduce_sum3A_58, %mul3A_60 : vector<8x2048xf32>
    %reduce_max3A = arith.constant dense<0xFF800000> : vector<8x2048xf32>
    %reduce_max3A_62 = vector.multi_reduction <maximumf>, %mul3A_55, %reduce_max3A [1] : vector<8x16x2048xf32> to vector<8x2048xf32>
    %broadcast_in_dim3A_63 = vector.shape_cast %reduce_max3A_62 : vector<8x2048xf32> to vector<8x1x2048xf32>
    %eq3A = vector.broadcast %broadcast_in_dim3A_63 : vector<8x1x2048xf32> to vector<8x16x2048xf32>
    %eq3A_64 = arith.cmpf oeq, %mul3A_55, %eq3A : vector<8x16x2048xf32>
    %iota3A = tpu.iota {dimensions = array<i32: 1>} : vector<8x16x2048xi32>
    %jit3A = arith.constant 16 : i32
    %broadcast_in_dim3A_65 = vector.broadcast %jit3A : i32 to vector<8x16x2048xi32>
    %select_n3A = arith.select %eq3A_64, %iota3A, %broadcast_in_dim3A_65 : vector<8x16x2048xi1>, vector<8x16x2048xi32>
    %reduce_min3A = arith.constant dense<2147483647> : vector<8x2048xi32>
    %reduce_min3A_66 = vector.multi_reduction <minsi>, %select_n3A, %reduce_min3A [1] : vector<8x16x2048xi32> to vector<8x2048xi32>
    %get3A_67 = arith.constant 0 : index
    %get3A_68 = arith.constant 0 : index
    %get3A_69 = vector.load %arg3[%get3A_67, %get3A_68] : memref<8x2048xi32, #tpu.memory_space<vmem>>, vector<8x2048xi32>
    %get3A_70 = arith.constant 0 : index
    %get3A_71 = arith.constant 0 : index
    %get3A_72 = vector.load %arg4[%get3A_70, %get3A_71] : memref<8x2048xi32, #tpu.memory_space<vmem>>, vector<8x2048xi32>
    %ne3A = arith.constant 0 : i32
    %ne3A_73 = vector.broadcast %ne3A : i32 to vector<8x2048xi32>
    %ne3A_74 = arith.cmpi ne, %get3A_72, %ne3A_73 : vector<8x2048xi32>
    %eq3A_75 = arith.cmpi eq, %reduce_min3A_66, %get3A_69 : vector<8x2048xi32>
    %and3A = arith.andi %eq3A_75, %ne3A_74 : vector<8x2048xi1>
    %gt3A = arith.constant 1.500000e-01 : f32
    %gt3A_76 = vector.broadcast %gt3A : f32 to vector<8x2048xf32>
    %gt3A_77 = arith.cmpf ogt, %reduce_max3A_62, %gt3A_76 : vector<8x2048xf32>
    %and3A_78 = arith.andi %and3A, %gt3A_77 : vector<8x2048xi1>
    %slice3A_79 = vector.extract_strided_slice %get3A_3 {offsets = [0, 0, 0, 0], sizes = [1, 8, 16, 2048], strides = [1, 1, 1, 1]} : vector<5x8x16x2048xf32> to vector<1x8x16x2048xf32>
    %squeeze3A_80 = vector.shape_cast %slice3A_79 : vector<1x8x16x2048xf32> to vector<8x16x2048xf32>
    %slice3A_81 = vector.extract_strided_slice %get3A_3 {offsets = [1, 0, 0, 0], sizes = [1, 8, 16, 2048], strides = [1, 1, 1, 1]} : vector<5x8x16x2048xf32> to vector<1x8x16x2048xf32>
    %squeeze3A_82 = vector.shape_cast %slice3A_81 : vector<1x8x16x2048xf32> to vector<8x16x2048xf32>
    %add3A_83 = arith.addf %squeeze3A_80, %squeeze3A_82 : vector<8x16x2048xf32>
    %slice3A_84 = vector.extract_strided_slice %get3A_3 {offsets = [2, 0, 0, 0], sizes = [1, 8, 16, 2048], strides = [1, 1, 1, 1]} : vector<5x8x16x2048xf32> to vector<1x8x16x2048xf32>
    %squeeze3A_85 = vector.shape_cast %slice3A_84 : vector<1x8x16x2048xf32> to vector<8x16x2048xf32>
    %add3A_86 = arith.addf %add3A_83, %squeeze3A_85 : vector<8x16x2048xf32>
    %slice3A_87 = vector.extract_strided_slice %get3A_3 {offsets = [3, 0, 0, 0], sizes = [1, 8, 16, 2048], strides = [1, 1, 1, 1]} : vector<5x8x16x2048xf32> to vector<1x8x16x2048xf32>
    %squeeze3A_88 = vector.shape_cast %slice3A_87 : vector<1x8x16x2048xf32> to vector<8x16x2048xf32>
    %add3A_89 = arith.addf %add3A_86, %squeeze3A_88 : vector<8x16x2048xf32>
    %slice3A_90 = vector.extract_strided_slice %get3A_3 {offsets = [4, 0, 0, 0], sizes = [1, 8, 16, 2048], strides = [1, 1, 1, 1]} : vector<5x8x16x2048xf32> to vector<1x8x16x2048xf32>
    %squeeze3A_91 = vector.shape_cast %slice3A_90 : vector<1x8x16x2048xf32> to vector<8x16x2048xf32>
    %add3A_92 = arith.addf %add3A_89, %squeeze3A_91 : vector<8x16x2048xf32>
    %mul3A_93 = arith.constant 2.000000e-01 : f32
    %mul3A_94 = vector.broadcast %mul3A_93 : f32 to vector<8x16x2048xf32>
    %mul3A_95 = arith.mulf %add3A_92, %mul3A_94 : vector<8x16x2048xf32>
    %swap3A = arith.constant 0 : index
    %swap3A_96 = arith.constant 0 : index
    %swap3A_97 = arith.constant 0 : index
    %swap3A_98 = vector.load %arg5[%swap3A, %swap3A_96, %swap3A_97] : memref<8x16x2048xf32, #tpu.memory_space<vmem>>, vector<8x16x2048xf32>
    tpu.vector_store %arg5[%swap3A, %swap3A_96, %swap3A_97], %mul3A_95 {strides = array<i32>} : memref<8x16x2048xf32, #tpu.memory_space<vmem>>, vector<8x16x2048xf32>,
    %swap3A_99 = arith.constant 0 : index
    %swap3A_100 = arith.constant 0 : index
    %swap3A_101 = vector.load %arg6[%swap3A_99, %swap3A_100] : memref<8x2048xf32, #tpu.memory_space<vmem>>, vector<8x2048xf32>
    tpu.vector_store %arg6[%swap3A_99, %swap3A_100], %mul3A_61 {strides = array<i32>} : memref<8x2048xf32, #tpu.memory_space<vmem>>, vector<8x2048xf32>,
    %jit3A_102 = arith.constant 0xFF800000 : f32
    %broadcast_in_dim3A_103 = vector.broadcast %jit3A_102 : f32 to vector<8x2048xf32>
    %select_n3A_104 = arith.select %and3A_78, %reduce_max3A_62, %broadcast_in_dim3A_103 : vector<8x2048xi1>, vector<8x2048xf32>
    %swap3A_105 = arith.constant 0 : index
    %swap3A_106 = arith.constant 0 : index
    %swap3A_107 = vector.load %arg7[%swap3A_105, %swap3A_106] : memref<8x2048xf32, #tpu.memory_space<vmem>>, vector<8x2048xf32>
    tpu.vector_store %arg7[%swap3A_105, %swap3A_106], %select_n3A_104 {strides = array<i32>} : memref<8x2048xf32, #tpu.memory_space<vmem>>, vector<8x2048xf32>,
    %jit3A_108 = arith.constant 0xFF800000 : f32
    %broadcast_in_dim3A_109 = vector.broadcast %jit3A_108 : f32 to vector<8x2048xf32>
    %select_n3A_110 = arith.select %ne3A_74, %mul3A_61, %broadcast_in_dim3A_109 : vector<8x2048xi1>, vector<8x2048xf32>
    %swap3A_111 = arith.constant 0 : index
    %swap3A_112 = arith.constant 0 : index
    %swap3A_113 = vector.load %arg8[%swap3A_111, %swap3A_112] : memref<8x2048xf32, #tpu.memory_space<vmem>>, vector<8x2048xf32>
    tpu.vector_store %arg8[%swap3A_111, %swap3A_112], %select_n3A_110 {strides = array<i32>} : memref<8x2048xf32, #tpu.memory_space<vmem>>, vector<8x2048xf32>,
    return
  }
  func.func @transform_0(%arg0: i32, %arg1: i32) -> (i32, i32, i32, i32) {
    %c0_i32 = arith.constant 0 : i32
    %c0_i32_0 = arith.constant 0 : i32
    %c0_i32_1 = arith.constant 0 : i32
    return %c0_i32, %arg0, %c0_i32_0, %arg1 : i32, i32, i32, i32
  }
  func.func @transform_1(%arg0: i32, %arg1: i32) -> (i32, i32) {
    %c0_i32 = arith.constant 0 : i32
    return %arg0, %arg1 : i32, i32
  }
  func.func @transform_2(%arg0: i32, %arg1: i32) -> (i32, i32) {
    %c0_i32 = arith.constant 0 : i32
    return %arg0, %arg1 : i32, i32
  }
  func.func @transform_3(%arg0: i32, %arg1: i32) -> (i32, i32, i32) {
    %c0_i32 = arith.constant 0 : i32
    %c0_i32_0 = arith.constant 0 : i32
    return %arg0, %c0_i32, %arg1 : i32, i32, i32
  }
  func.func @transform_4(%arg0: i32, %arg1: i32) -> (i32, i32) {
    %c0_i32 = arith.constant 0 : i32
    return %arg0, %arg1 : i32, i32
  }
  func.func @transform_5(%arg0: i32, %arg1: i32) -> (i32, i32) {
    %c0_i32 = arith.constant 0 : i32
    return %arg0, %arg1 : i32, i32
  }
  func.func @transform_6(%arg0: i32, %arg1: i32) -> (i32, i32) {
    %c0_i32 = arith.constant 0 : i32
    return %arg0, %arg1 : i32, i32
  }
}

</mosaic_0001>

<sc_bundles>
// kernel: kernel.4.cloned.1.call-start
scs
__scs_entry_jumppad:
0x0: {  	(pc) =	sbr.rel $0x88, $3  }
0x1: {  	(tag) =	ssettag $0x0;
	lr =	simm.s32 $0x1  }
0x2: {  	[smem:$0x3F9E] =	sst lr;
	_ =	strace $0xD0000000  }
0x3: {  	_ = 	snop  }
0x4: {  	_ = 	snop  }
0x5: {  	_ = 	snop  }
0x6: {  	_ = 	snop  }
0x7: {  	_ = 	snop  }
__scs_overlays_trampoline_lowered:
0x8: {  	[smem:$0x3FAD] =	sst s0  }
0x9: {  	[smem:$0x3FAE] =	sst s1  }
0xa: {  	[smem:$0x3FAF] =	sst s2  }
0xb: {  	[smem:$0x3FB0] =	sst s3  }
0xc: {  	[smem:$0x3FB1] =	sst s4  }
0xd: {  	[smem:$0x3FB2] =	sst s5  }
0xe: {  	[smem:$0x3FB3] =	sst s6  }
0xf: {  	[smem:$0x3FB4] =	sst s7  }
0x10: {  	[smem:$0x3FB5] =	sst s8  }
0x11: {  	[smem:$0x3FB6] =	sst s9;
	s0 =	simm.s32 @!p0 $0x0  }
0x12: {  	s1 =	sld [smem:$0x3F9C];
	s0 =	simm.s32 @p0 $0x1  }
0x13: {  	[smem:$0x3FB7] =	sst s0;
	s0 =	simm.s32 @!p1 $0x0  }
0x14: {  	s2 =	sld [smem:$0x3F9B];
	s0 =	simm.s32 @p1 $0x1  }
0x15: {  	[smem:$0x3FB8] =	sst s0;
	s0 =	simm.s32 @!p2 $0x0  }
0x16: {  	s3 =	sld [smem:$0x3FDB];
	s0 =	simm.s32 @p2 $0x1  }
0x17: {  	s4 =	simm.s32 $0x1BF5;
	[smem:$0x3FBA] =	sst s0  }
0x18: {  	s0 =	sld [smem:$0x3F9D];
	_ =	swait.ge [sflag:s4], $0x0  }
0x19: {  	s7 =	sld [smem:$0x3F9E]  }
0x1a: {  	s8 =	sadd.s32 $0xFFFFE003, lr  }
0x1b: {  	s9 =	sadd.s32 $0xFFFFFEF7, lr;
	s5 =	simm.s32 $0xFFFFFFFF;
	p2 =	slt.u32 s8, $0xFFFFF086  }
0x1c: {  	p1 =	slt.u32 s9, $0xF7A;
	s5 =	simm.s32 @!p2 $0x0  }
0x1d: {  	s5 =	simm.s32 @p1 $0x1;
	p0 =	seq.s32 s7, s2  }
0x1e: {  	s7 =	smul.u32 @!p0 $0xF7A, s2;
	p2 =	seq.s32 @!p0 s5, $0x0  }
0x1f: {  	s9 =	smul.u32 $0xF7A, s1;
	s8 =	simm.s32 @!p0 $0x1BF5;
	p2 =	por !p2, p0  }
0x20: {  	[sflag:s8] =	ssyncset.s32 @!p0 $0xFFFFF086;
	s6 =	sadd.s32 @!p0 s3, s7;
	s7 =	simm.s32 @!p0 $0x108  }
0x21: {  	s3 =	sadd.s32 s3, s9;
	s6 =	sadd.s32 @!p0 $0x88, s6;
	s7 =	simm.s32 @p2 $0x1082  }
0x22: {  	[simem:s7], [sflag:s8] =	dma.local @!p0 [hbm:s6], $0xF7A  }
0x23: {  	s9 =	sor.u32 $0xD0000000, s2;
	s6 =	simm.s32 $0x108;
	_ =	swait.ge @!p0 [sflag:s8], $0x0  }
0x24: {  	s3 =	sadd.s32 $0x88, s3;
	s6 =	simm.s32 @!p1 $0x1082;
	[sflag:s4] =	ssyncset.s32 $0xFFFFF086  }
0x25: {  	[simem:s6], [sflag:s4] =	dma.local [hbm:s3], $0xF7A  }
0x26: {  	[smem:$0x3F9E] =	sst s1;
	(tag) =	ssettag s2;
	_ =	strace s9  }
0x27: {  	s1 =	sld [smem:$0x3FAE]  }
0x28: {  	s2 =	sld [smem:$0x3FAF]  }
0x29: {  	s4 =	sld [smem:$0x3FB1]  }
0x2a: {  	p0 =	seq.s32 s5, $0x0;
	s5 =	sld [smem:$0x3FB2]  }
0x2b: {  	s6 =	sld [smem:$0x3FB3]  }
0x2c: {  	s7 =	sld [smem:$0x3FB4]  }
0x2d: {  	s3 =	simm.s32 $0x108;
	s8 =	sld [smem:$0x3FB5]  }
0x2e: {  	s3 =	simm.s32 @!p0 $0x1082;
	s9 =	sld [smem:$0x3FB6]  }
0x2f: {  	lr =	sadd.s32 s0, s3;
	s0 =	sld [smem:$0x3FAD]  }
0x30: {  	s3 =	sld [smem:$0x3FB0]  }
0x31: {  	[smem:$0x3FB9] =	sst s10  }
0x32: {  	s10 =	sld [smem:$0x3FB7];
	_ =	sdelay $0x3  }
0x33: {  	p0 =	seq.s32 s10, $0x1;
	s10 =	sld [smem:$0x3FB9];
	_ =	sdelay $0x3  }
0x34: {  	[smem:$0x3FB9] =	sst s10  }
0x35: {  	s10 =	sld [smem:$0x3FB8];
	_ =	sdelay $0x3  }
0x36: {  	p1 =	seq.s32 s10, $0x1;
	s10 =	sld [smem:$0x3FB9];
	_ =	sdelay $0x3  }
0x37: {  	[smem:$0x3FB9] =	sst s10  }
0x38: {  	s10 =	sld [smem:$0x3FBA]  }
0x39: {  	_ = 	snop;
	(pc) =	sbr.ind lr, $3  }
0x3a: {  	_ = 	snop  }
0x3b: {  	_ = 	snop  }
0x3c: {  	p2 =	seq.s32 s10, $0x1;
	s10 =	sld [smem:$0x3FB9]  }
0x3d: {  	_ =	shalt  }
0x3e: {  	_ =	shalt  }
0x3f: {  	_ =	shalt  }
0x40: {  	_ =	shalt  }
0x41: {  	_ =	shalt  }
0x42: {  	_ =	shalt  }
0x43: {  	_ =	shalt  }
0x44: {  	_ =	shalt  }
0x45: {  	_ =	shalt  }
0x46: {  	_ =	shalt  }
0x47: {  	_ =	shalt  }
0x48: {  	_ =	shalt  }
0x49: {  	_ =	shalt  }
0x4a: {  	_ =	shalt  }
0x4b: {  	_ =	shalt  }
0x4c: {  	_ =	shalt  }
0x4d: {  	_ =	shalt  }
0x4e: {  	_ =	shalt  }
0x4f: {  	_ =	shalt  }
0x50: {  	_ =	shalt  }
0x51: {  	_ =	shalt  }
0x52: {  	_ =	shalt  }
0x53: {  	_ =	shalt  }
0x54: {  	_ =	shalt  }
0x55: {  	_ =	shalt  }
0x56: {  	_ =	shalt  }
0x57: {  	_ =	shalt  }
0x58: {  	_ =	shalt  }
0x59: {  	_ =	shalt  }
0x5a: {  	_ =	shalt  }
0x5b: {  	_ =	shalt  }
0x5c: {  	_ =	shalt  }
0x5d: {  	_ =	shalt  }
0x5e: {  	_ =	shalt  }
0x5f: {  	_ =	shalt  }
0x60: {  	_ =	shalt  }
0x61: {  	_ =	shalt  }
0x62: {  	_ =	shalt  }
0x63: {  	_ =	shalt  }
0x64: {  	_ =	shalt  }
0x65: {  	_ =	shalt  }
0x66: {  	_ =	shalt  }
0x67: {  	_ =	shalt  }
0x68: {  	_ =	shalt  }
0x69: {  	_ =	shalt  }
0x6a: {  	_ =	shalt  }
0x6b: {  	_ =	shalt  }
0x6c: {  	_ =	shalt  }
0x6d: {  	_ =	shalt  }
0x6e: {  	_ =	shalt  }
0x6f: {  	_ =	shalt  }
0x70: {  	_ =	shalt  }
0x71: {  	_ =	shalt  }
0x72: {  	_ =	shalt  }
0x73: {  	_ =	shalt  }
0x74: {  	_ =	shalt  }
0x75: {  	_ =	shalt  }
0x76: {  	_ =	shalt  }
0x77: {  	_ =	shalt  }
0x78: {  	_ =	shalt  }
0x79: {  	_ =	shalt  }
0x7a: {  	_ =	shalt  }
0x7b: {  	_ =	shalt  }
0x7c: {  	_ =	shalt  }
0x7d: {  	_ =	shalt  }
0x7e: {  	_ =	shalt  }
0x7f: {  	_ =	shalt  }
0x80: {  	_ =	shalt  }
0x81: {  	_ =	shalt  }
0x82: {  	_ =	shalt  }
0x83: {  	_ =	shalt  }
0x84: {  	_ =	shalt  }
0x85: {  	_ =	shalt  }
0x86: {  	_ =	shalt  }
0x87: {  	_ =	shalt  }
.Lfunc_end0:
.L_simem_size_0:
called_computation_lowered:
.L_overlay_start_0:
0x88: {  	s2 =	sld [smem:$0x3FD9]  }
0x89: {  	s3 =	sld [smem:$0x3FFE];
	_ =	sdelay $0x1  }
0x8a: {  	s1 =	srdreg.scid  }
0x8b: {  	s0 =	sand.u32 $0x1, s1  }
0x8c: {  	s16 =	sshll.u32 s0, $0xA;
	s2 =	sadd.s32 s3, s2  }
0x8d: {  	s2 =	sadd.s32 s2, s16  }
0x8e: {  	[smem:$0x3FC5] =	sst s2  }
0x8f: {  	_ = 	snop  }
0x90: {  	(tm) =	ssettm $0x1  }
0x91: {  	s17 =	sld [smem:$0x3FFB];
	_ =	sdelay $0x3  }
0x92: {  	_ =	strace s17  }
0x93: {  	s2 =	sld [smem:$0x3FFC];
	_ =	sdelay $0x3  }
0x94: {  	_ =	strace s2  }
0x95: {  	s2 =	sld [smem:$0x3FFD];
	_ =	sdelay $0x3  }
0x96: {  	_ =	strace s2  }
0x97: {  	_ =	strace $0x8FFFFFFF  }
0x98: {  	s18 =	sld [smem:$0x3FDB];
	_ =	sdelay $0x1  }
0x99: {  	s19 =	simm.s32 $_scs_section_size  }
0x9a: {  	s4 =	simm.s32 $_size__tile_overlayer_lowered;
	s5 =	simm.s32 $_tile_overlayer_lowered  }
0x9b: {  	s22 =	simm.s32 $0x1BFF;
	s21 =	sshll.u32 s5, $0x1;
	s2 =	sadd.s32 s19, s18  }
0x9c: {  	s6 =	simm.s32 $0x0;
	s20 =	sshll.u32 s4, $0x1;
	s4 =	sadd.s32 s21, s2  }
0x9d: {  	[timem:s6], [sflag:s22] =	dma.local [hbm:s4], s20  }
0x9e: {  	_ =	swait.ge [sflag:s22], s20  }
0x9f: {  	s3 =	ssub.s32 $0x0, s20;
	[sflag:s22] =	ssyncset.done $0x0  }
0xa0: {  	[sflag:s22] =	ssyncadd.s32 s3;
	_ =	sdelay $0x1  }
0xa1: {  	s23 =	simm.s32 $0x1B8B  }
0xa2: {  	_ =	swait.ge [sflag:s23], $0x1  }
0xa3: {  	[sflag:s23] =	ssyncset.done $0x0  }
0xa4: {  	s25 =	simm.s32 $0x1B8E;
	s24 =	sld [smem:$0x3FFE];
	[sflag:s23] =	ssyncadd.s32 $0xFFFFFFFF  }
0xa5: {  	s26 =	simm.s32 $execute0_lowered;
	[smem:$0x3FD2] =	sst s25  }
0xa6: {  	s4 =	sshll.u32 s26, $0x1;
	_ =	strace $0x80000046;
	[dreg:$0x1] =	wrdreg $0xFFFFFFFF  }
0xa7: {  	s28 =	simm.s32 $_size_execute0_lowered;
	s2 =	sadd.s32 s2, s4;
	[dreg:$0x0] =	wrdreg $0x0  }
0xa8: {  	s4 =	sshll.u32 s28, $0x1;
	[dreg:$0x2] =	wrdreg s2  }
0xa9: {  	[dreg:$0x3] =	wrdreg s4  }
0xaa: {  	[dreg:$0x4] =	wrdreg $0xC0  }
0xab: {  	_ =	task [dreg:s6], $0x5FFFF  }
0xac: {  	[dreg:$0x1] =	wrdreg $0xFFFFFFFF  }
0xad: {  	[dreg:$0x0] =	wrdreg $0x60  }
0xae: {  	[dreg:$0x2] =	wrdreg s24  }
0xaf: {  	[dreg:$0x3] =	wrdreg $0x9  }
0xb0: {  	_ =	task.clear_ibuf [dreg:s6], $0x4FFFF;
	_ =	strace $0x90000046  }
0xb1: {  	s29 =	simm.s32 $0x9;
	_ =	strace $0x80000048  }
0xb2: {  	_ =	swait.ge [sflag:s29], $0x1  }
0xb3: {  	[sflag:s29] =	ssyncadd.s32 $0xFFFFFFFF  }
0xb4: {  	_ =	strace $0x90000048  }
0xb5: {  	_ =	sfence  }
0xb6: {  	s30 =	sld [smem:$0x0];
	_ =	sdelay $0x2  }
0xb7: {  	s31 =	sshll.u32 s1, $0xD;
	s1 =	sshrl.u32 s1, $0x2  }
0xb8: {  	s3 =	sand.u32 $0x4000, s31;
	s1 =	sadd.s32 s1, s30  }
0xb9: {  	s0 =	sor.u32 s3, s0;
	s1 =	sshll.u32 s1, $0x11  }
0xba: {  	s0 =	sor.u32 s1, s0  }
0xbb: {  	s0 =	sadd.s32 $0x8F2B, s0  }
0xbc: {  	[sflag:s0] =	ssyncadd.remote.s32 $0x1  }
0xbd: {  	_ =	sfence.sel $0xFFFF  }
0xbe: {  	[dreg:$0x0] =	wrdreg $0xFFFFFFFF;
	(pc) =	sbr.abs _section_cstart, $3  }
0xbf: {  	[dreg:$0x1] =	wrdreg $0xFFFFFFFF  }
0xc0: {  	_ =	task.clear_ibuf [dreg:s6], $0x2FFFF;
	_ =	strace $0x9FFFFFFF  }
0xc1: {  	(tm) =	ssettm $0x7FFFFFFF  }
tec
execute0_lowered:
.L_overlay_start_1:
0x0: {  	(tag) =	ssettag $0x1  }
0x1: {  	s3 =	rddreg [dreg:$0x0]  }
0x2: {  	s0 =	rddreg [dreg:$0x1]  }
0x3: {  	s4 =	srdreg.scid;
	s1 =	stileid.u32  }
0x4: {  	s2 =	simm.s32 $0x0;
	s8 =	simm.s32 $0x400;
	s9 =	simm.s32 $0x1  }
0x5: {  	s10 =	simm.s32 $0x2000;
	s11 =	simm.s32 $0x4000;
	s12 =	simm.s32 $0x0  }
0x6: {  	s4 =	sand.u32 $0x1, s4;
	s5 =	sshll.u32 s1, $0x8;
	s6 =	sshrl.u32 s1, $0x2  }
0x7: {  	[smem:$0x7FF] =	sst s2;
	s7 =	sshll.u32 s4, $0x7;
	s5 =	sand.u32 $0x300, s5  }
0x8: {  	s29 =	sshll.u32 s6, $0x10;
	s6 =	sshll.u32 s6, $0xA;
	s5 =	sor.u32 s7, s5  }
0x9: {  	_ =	strace $0x80000047;
	s7 =	sor.u32 s29, s5;
	s5 =	sor.u32 s6, s5  }
0xa: {  	s4 =	ssub.s32 $0x2, s4;
	s7 =	sshrl.u32 s7, $0x3;
	s5 =	sshrl.u32 s5, $0x3  }
0xb: {  	s31 =	sshrl.u32 s4, $0x1;
	s30 =	sadd.s32 s7, s3;
	s5 =	sadd.s32 s5, s3  }
0xc: {  	v0 =	vlaneseq.u32;
	vm0 =	vcmask $0x300;
	s7 =	ssub.s32 s4, s31;
	s3 =	sadd.s32 $0x200, s30;
	s4 =	sadd.s32 $0x8200, s30  }
0xd: {  	vm1 =	vcmask $0x704;
	vm2 =	vcmask $0xB08;
	vm3 =	vcmask $0xF0C;
	s5 =	sadd.s32 $0x10200, s5;
	s6 =	smax.u32 s7, $0x1;
	s7 =	simm.s32 $0x80  }
.LBB2_1:
0xe: {  	[tilespmem:s2], [sflag:$0x1] =	stream.strided.gather [hbm4b:s3+s7], $0x2000, s8, s7, $0x38;
	[tilespmem:$0x4080] =	vst v63  }
0xf: {  	_ =	swait.ge [sflag:s9], $0x2000  }
0x10: {  	[sflag:s9] =	ssyncset.done $0x0  }
0x11: {  	[sflag:s9] =	ssyncadd.s32 $0xFFFFE000  }
0x12: {  	[tilespmem:s10], [sflag:$0x1] =	stream.strided.gather [hbm4b:s4+s7], $0x2000, s8, s7, $0x38;
	[tilespmem:$0x4080] =	vst v63  }
0x13: {  	_ =	swait.ge [sflag:s9], $0x2000  }
0x14: {  	[sflag:s9] =	ssyncset.done $0x0  }
0x15: {  	s15 =	simm.s32 $0x40;
	[sflag:s9] =	ssyncadd.s32 $0xFFFFE000  }
0x16: {  	s14 =	simm.s32 $0x2040;
	v3 =	vld [tilespmem:s15+$0xFFFFFFC0]  }
0x17: {  	v4 =	vld [tilespmem:s14+$0xFFFFFFC0]  }
0x18: {  	s16 =	simm.s32 $0x60  }
0x19: {  	v5 =	vimm.f32 $-Inf;
	v6 =	vimm.s32 $0x40000000;
	s13 =	simm.s32 $0x70;
	s17 =	simm.s32 $0x10;
	s28 =	simm.s32 $0x0;
	v2 =	vor.u32 s16, v0  }
0x1a: {  	s18 =	simm.s32 $0x40;
	v1 =	vor.u32 s13, v0;
	v7 =	vor.u32 s17, v0;
	v8 =	vor.u32 s28, v0;
	v9 =	vld [tilespmem:s15+$0xFFFFFFD0]  }
0x1b: {  	v10 =	vor.u32 s18, v0;
	vm5 =	vlt.s32 v8, v6;
	vm4 =	veq.f32 v3, v5  }
0x1c: {  	vm6 =	vgt.f32 v3, v5;
	vm7 =	veq.f32 v4, v5;
	vm4 =	vmand vm5, vm4  }
0x1d: {  	v11 =	vld [tilespmem:s14+$0xFFFFFFD0];
	vm5 =	vmand vm5, vm7;
	vm4 =	vmor vm6, vm4;
	vm6 =	vgt.f32 v4, v5  }
0x1e: {  	v3 =	vsel vm4, v3, v5;
	v12 =	vsel vm4, v8, v6;
	vm4 =	vmor vm6, vm5  }
0x1f: {  	v13 =	vld [tilespmem:s15+$0xFFFFFFE0];
	vm5 =	vgt.f32 v9, v3;
	vm6 =	veq.f32 v9, v3;
	vm7 =	vlt.s32 v7, v12  }
0x20: {  	s29 =	simm.s32 $0x20;
	s30 =	simm.s32 $0x30;
	v4 =	vsel vm4, v4, v5;
	v5 =	vsel vm4, v8, v6;
	vm4 =	vmand vm6, vm7  }
0x21: {  	v56 =	vor.u32 s29, v0;
	v14 =	vor.u32 s30, v0;
	v6 =	vld [tilespmem:s14+$0xFFFFFFE0];
	vm4 =	vmor vm5, vm4  }
0x22: {  	vm6 =	vlt.s32 v7, v5;
	vm5 =	veq.f32 v11, v4;
	v3 =	vsel vm4, v9, v3  }
0x23: {  	v57 =	vld [tilespmem:s15+$0xFFFFFFF0];
	v8 =	vsel vm4, v7, v12;
	vm4 =	vgt.f32 v11, v4;
	vm5 =	vmand vm5, vm6  }
0x24: {  	vm6 =	veq.f32 v13, v3;
	vm4 =	vmor vm4, vm5;
	vm5 =	vlt.s32 v56, v8  }
0x25: {  	vm7 =	vgt.f32 v13, v3;
	v4 =	vsel vm4, v11, v4;
	vm5 =	vmand vm6, vm5  }
0x26: {  	v5 =	vsel vm4, v7, v5;
	v7 =	vld [tilespmem:s14+$0xFFFFFFF0];
	vm4 =	vmor vm7, vm5;
	vm5 =	veq.f32 v6, v4  }
0x27: {  	v3 =	vsel vm4, v13, v3;
	v8 =	vsel vm4, v56, v8;
	vm4 =	vlt.s32 v56, v5  }
0x28: {  	v58 =	vld [tilespmem:s15+$0x0];
	vm6 =	vgt.f32 v6, v4;
	vm4 =	vmand vm5, vm4;
	vm5 =	vgt.f32 v57, v3  }
0x29: {  	vm7 =	vlt.s32 v14, v8;
	vm4 =	vmor vm6, vm4;
	vm6 =	veq.f32 v57, v3  }
0x2a: {  	v4 =	vsel vm4, v6, v4;
	v5 =	vsel vm4, v56, v5;
	vm4 =	vmand vm6, vm7;
	v6 =	vld [tilespmem:s14+$0x0]  }
0x2b: {  	vm4 =	vmor vm5, vm4;
	vm5 =	veq.f32 v7, v4;
	vm6 =	vlt.s32 v14, v5  }
0x2c: {  	vm7 =	vgt.f32 v7, v4;
	v3 =	vsel vm4, v57, v3;
	vm5 =	vmand vm5, vm6  }
0x2d: {  	v8 =	vsel vm4, v14, v8;
	vm4 =	vmor vm7, vm5;
	vm5 =	veq.f32 v58, v3  }
0x2e: {  	v4 =	vsel vm4, v7, v4;
	v5 =	vsel vm4, v14, v5;
	vm4 =	vlt.s32 v10, v8;
	v7 =	vld [tilespmem:s14+$0x10]  }
0x2f: {  	v59 =	vld [tilespmem:s15+$0x10];
	vm4 =	vmand vm5, vm4;
	vm5 =	veq.f32 v6, v4;
	vm6 =	vlt.s32 v10, v5  }
0x30: {  	s31 =	simm.s32 $0x50;
	vm7 =	vgt.f32 v58, v3;
	vm8 =	vgt.f32 v6, v4;
	vm5 =	vmand vm5, vm6  }
0x31: {  	v60 =	vor.u32 s31, v0;
	vm4 =	vmor vm7, vm4;
	vm5 =	vmor vm8, vm5  }
0x32: {  	v61 =	vld [tilespmem:s14+$0x20];
	v3 =	vsel vm4, v58, v3;
	v4 =	vsel vm5, v6, v4;
	v5 =	vsel vm5, v10, v5  }
0x33: {  	v6 =	vsel vm4, v10, v8;
	vm4 =	veq.f32 v7, v4;
	vm5 =	vlt.s32 v60, v5  }
0x34: {  	vm6 =	veq.f32 v59, v3;
	v8 =	vld [tilespmem:s15+$0x20];
	vm7 =	vgt.f32 v7, v4;
	vm4 =	vmand vm4, vm5  }
0x35: {  	vm14 =	vlt.s32 v60, v6;
	vm5 =	vgt.f32 v59, v3;
	vm4 =	vmor vm7, vm4  }
0x36: {  	vm6 =	vmand vm6, vm14;
	v4 =	vsel vm4, v7, v4;
	v5 =	vsel vm4, v60, v5;
	v7 =	vld [tilespmem:s14+$0x30]  }
0x37: {  	vm4 =	vmor vm5, vm6;
	vm5 =	veq.f32 v61, v4;
	vm6 =	vlt.s32 v2, v5  }
0x38: {  	v3 =	vsel vm4, v59, v3;
	vm7 =	vgt.f32 v61, v4;
	vm5 =	vmand vm5, vm6  }
0x39: {  	v6 =	vsel vm4, v60, v6;
	vm4 =	veq.f32 v8, v3;
	vm5 =	vmor vm7, vm5  }
0x3a: {  	vm6 =	vlt.s32 v2, v6;
	v62 =	vsel vm5, v61, v4;
	v63 =	vsel vm5, v2, v5;
	v4 =	vld [tilespmem:s15+$0x30]  }
0x3b: {  	vm4 =	vmand vm4, vm6;
	vm5 =	veq.f32 v7, v62;
	vm6 =	vlt.s32 v1, v63  }
0x3c: {  	vm7 =	vgt.f32 v8, v3;
	vm15 =	vgt.f32 v7, v62;
	vm5 =	vmand vm5, vm6  }
0x3d: {  	vm4 =	vmor vm7, vm4;
	vm5 =	vmor vm15, vm5  }
0x3e: {  	s16 =	simm.s32 $0x20C0;
	s14 =	simm.s32 $0x0;
	s15 =	simm.s32 $0xC0;
	v5 =	vsel vm4, v8, v3;
	v7 =	vsel vm5, v7, v62;
	v3 =	vsel vm5, v1, v63  }
.LBB2_2:
0x3f: {  	v8 =	vld [tilespmem:s15+$0xFFFFFFC0];
	s14 =	sadd.s32 $0x8, s14;
	v6 =	vsel vm4, v2, v6;
	vm4 =	veq.f32 v4, v5;
	s13 =	sadd.s32 $0x80, s13  }
0x40: {  	vm5 =	vgt.f32 v4, v5;
	v9 =	vld [tilespmem:s16+$0xFFFFFFC0];
	s17 =	sadd.s32 $0xFFFFFFF0, s13;
	p0 =	slt.u32 s14, $0x1F8;
	vm6 =	vlt.s32 v1, v6  }
0x41: {  	s18 =	sadd.s32 $0xFFFFFFA0, s13;
	s19 =	sadd.s32 $0xFFFFFFD0, s13;
	v10 =	vor.u32 s13, v0;
	v2 =	vor.u32 s17, v0;
	vm4 =	vmand vm4, vm6  }
0x42: {  	s17 =	sadd.s32 $0xFFFFFF90, s13;
	v11 =	vor.u32 s18, v0;
	v12 =	vor.u32 s19, v0;
	vm4 =	vmor vm5, vm4  }
0x43: {  	v13 =	vor.u32 s17, v0;
	v14 =	vld [tilespmem:s15+$0xFFFFFFD0];
	v4 =	vsel vm4, v4, v5;
	v5 =	vsel vm4, v1, v6;
	v1 =	vmovc v10  }
0x44: {  	vm6 =	vlt.s32 v13, v3;
	vm4 =	veq.f32 v8, v4;
	vm5 =	vlt.s32 v13, v5  }
0x45: {  	vm7 =	vgt.f32 v8, v4;
	vm4 =	vmand vm5, vm4;
	vm5 =	veq.f32 v9, v7;
	v6 =	vld [tilespmem:s16+$0xFFFFFFD0]  }
0x46: {  	vm4 =	vmor vm7, vm4;
	vm7 =	vgt.f32 v9, v7;
	vm5 =	vmand vm6, vm5  }
0x47: {  	v4 =	vsel vm4, v8, v4;
	v5 =	vsel vm4, v13, v5;
	vm4 =	vmor vm7, vm5;
	v8 =	vld [tilespmem:s15+$0xFFFFFFE0]  }
0x48: {  	vm5 =	vgt.f32 v14, v4;
	vm6 =	veq.f32 v14, v4;
	vm7 =	vlt.s32 v11, v5  }
0x49: {  	v7 =	vsel vm4, v9, v7;
	v3 =	vsel vm4, v13, v3;
	vm4 =	vmand vm6, vm7  }
0x4a: {  	vm6 =	vlt.s32 v11, v3;
	vm4 =	vmor vm5, vm4;
	vm5 =	veq.f32 v6, v7;
	v9 =	vld [tilespmem:s16+$0xFFFFFFE0]  }
0x4b: {  	s17 =	sadd.s32 $0xFFFFFFB0, s13;
	v4 =	vsel vm4, v14, v4;
	v5 =	vsel vm4, v11, v5;
	vm4 =	vgt.f32 v6, v7  }
0x4c: {  	v10 =	vor.u32 s17, v0;
	s17 =	sadd.s32 $0xFFFFFFC0, s13;
	vm5 =	vmand vm5, vm6;
	vm6 =	veq.f32 v8, v4;
	v13 =	vld [tilespmem:s15+$0xFFFFFFF0]  }
0x4d: {  	v14 =	vor.u32 s17, v0;
	vm4 =	vmor vm4, vm5;
	vm5 =	vlt.s32 v10, v5  }
0x4e: {  	vm7 =	vgt.f32 v8, v4;
	v6 =	vsel vm4, v6, v7;
	vm5 =	vmand vm6, vm5  }
0x4f: {  	v3 =	vsel vm4, v11, v3;
	vm4 =	vmor vm7, vm5;
	vm5 =	veq.f32 v9, v6;
	v7 =	vld [tilespmem:s16+$0xFFFFFFF0]  }
0x50: {  	v4 =	vsel vm4, v8, v4;
	v5 =	vsel vm4, v10, v5;
	vm4 =	vlt.s32 v10, v3  }
0x51: {  	vm6 =	vgt.f32 v9, v6;
	vm4 =	vmand vm5, vm4;
	vm5 =	vgt.f32 v13, v4;
	v8 =	vld [tilespmem:s15+$0x0]  }
0x52: {  	vm7 =	vlt.s32 v14, v5;
	vm4 =	vmor vm6, vm4;
	vm6 =	veq.f32 v13, v4  }
0x53: {  	v6 =	vsel vm4, v9, v6;
	v3 =	vsel vm4, v10, v3;
	vm4 =	vmand vm6, vm7;
	v9 =	vld [tilespmem:s16+$0x0]  }
0x54: {  	vm4 =	vmor vm5, vm4;
	vm6 =	vlt.s32 v14, v3;
	vm5 =	veq.f32 v7, v6  }
0x55: {  	v4 =	vsel vm4, v13, v4;
	vm7 =	vgt.f32 v7, v6;
	vm5 =	vmand vm5, vm6  }
0x56: {  	v5 =	vsel vm4, v14, v5;
	vm4 =	vmor vm7, vm5;
	vm5 =	veq.f32 v8, v4  }
0x57: {  	v6 =	vsel vm4, v7, v6;
	v3 =	vsel vm4, v14, v3;
	vm4 =	vlt.s32 v12, v5;
	v7 =	vld [tilespmem:s16+$0x10]  }
0x58: {  	vm4 =	vmand vm5, vm4;
	vm5 =	veq.f32 v9, v6;
	vm6 =	vlt.s32 v12, v3;
	v10 =	vld [tilespmem:s15+$0x10]  }
0x59: {  	s17 =	sadd.s32 $0xFFFFFFE0, s13;
	vm7 =	vgt.f32 v8, v4;
	vm8 =	vgt.f32 v9, v6;
	vm5 =	vmand vm5, vm6  }
0x5a: {  	v11 =	vor.u32 s17, v0;
	vm4 =	vmor vm7, vm4;
	vm5 =	vmor vm8, vm5  }
0x5b: {  	v4 =	vsel vm4, v8, v4;
	v6 =	vsel vm5, v9, v6;
	v3 =	vsel vm5, v12, v3;
	v8 =	vld [tilespmem:s16+$0x20]  }
0x5c: {  	v5 =	vsel vm4, v12, v5;
	vm4 =	veq.f32 v7, v6;
	vm5 =	vlt.s32 v11, v3  }
0x5d: {  	vm7 =	vgt.f32 v7, v6;
	vm6 =	veq.f32 v10, v4;
	vm4 =	vmand vm4, vm5;
	v9 =	vld [tilespmem:s15+$0x20]  }
0x5e: {  	vm8 =	vlt.s32 v11, v5;
	vm5 =	vgt.f32 v10, v4;
	vm4 =	vmor vm7, vm4  }
0x5f: {  	vm6 =	vmand vm6, vm8;
	v7 =	vsel vm4, v7, v6;
	v3 =	vsel vm4, v11, v3;
	v12 =	vld [tilespmem:s16+$0x30]  }
0x60: {  	vm4 =	vmor vm5, vm6;
	vm5 =	veq.f32 v8, v7;
	vm6 =	vlt.s32 v2, v3  }
0x61: {  	v10 =	vsel vm4, v10, v4;
	vm7 =	vgt.f32 v8, v7;
	vm5 =	vmand vm5, vm6  }
0x62: {  	v6 =	vsel vm4, v11, v5;
	vm4 =	veq.f32 v9, v10;
	vm5 =	vmor vm7, vm5  }
.Ltmp0:
0x63: {  	vm6 =	vlt.s32 v2, v6;
	v7 =	vsel vm5, v8, v7;
	v3 =	vsel vm5, v2, v3;
	v4 =	vld [tilespmem:s15+$0x30];
	(pc) =	sbr.rel @p0 .LBB2_2-.Ltmp0, $4  }
0x64: {  	vm4 =	vmand vm4, vm6;
	vm5 =	veq.f32 v12, v7;
	vm6 =	vlt.s32 v1, v3  }
0x65: {  	vm7 =	vgt.f32 v9, v10;
	vm8 =	vgt.f32 v12, v7;
	vm5 =	vmand vm5, vm6  }
0x66: {  	vm4 =	vmor vm7, vm4;
	vm5 =	vmor vm8, vm5  }
0x67: {  	s16 =	sadd.s32 $0x80, s16;
	s15 =	sadd.s32 $0x80, s15;
	v5 =	vsel vm4, v9, v10;
	v7 =	vsel vm5, v12, v7;
	v3 =	vsel vm5, v1, v3  }
0x68: {  	(xrf0) =	vmax.scan.msk.f32 $0xffff, v7;
	_ =	sdelay $0x5  }
0x69: {  	v8, _, _ =	vpop (xrf0)  }
0x6a: {  	v8 =	vbroadcast v8, $0xF;
	_ =	sdelay $0x1  }
0x6b: {  	v3 =	vxor.u32 $0x80000000, v3;
	vm5 =	veq.f32 v7, v8  }
0x6c: {  	v3 =	vnsel vm5, $0xC0000000, v3  }
0x6d: {  	(xrf0) =	vmin.scan.msk.u32 $0xffff, v3;
	_ =	sdelay $0x5  }
0x6e: {  	v3, _, _ =	vpop (xrf0)  }
0x6f: {  	(v2sf) =	vpush v3, $0xF;
	_ =	sdelay $0xc  }
0x70: {  	s14 =	simm.s32 $0x2040  }
0x71: {  	v7 =	vld [tilespmem:s14+$0xFFFFFFC0]  }
0x72: {  	s13 =	spop (v2sf)  }
0x73: {  	s15 =	simm.s32 $0x0;
	s13 =	sxor.u32 $0x80000000, s13  }
0x74: {  	v8 =	vor.u32 s15, v0;
	v3 =	vmov s13  }
0x75: {  	v9 =	vld [tilespmem:s14+$0xFFFFFFD0];
	vm5 =	veq.s32 v8, v3  }
0x76: {  	v10 =	vimm.f32 $-Inf;
	v11 =	vimm.s32 $0x40000000;
	v7 =	vsel vm5, $0xFF800000, v7  }
0x77: {  	s23 =	simm.s32 $0x10;
	vm6 =	vlt.s32 v8, v11;
	vm5 =	veq.f32 v7, v10  }
0x78: {  	v12 =	vor.u32 s23, v0;
	vm7 =	vgt.f32 v7, v10;
	vm5 =	vmand vm6, vm5  }
0x79: {  	v13 =	vld [tilespmem:s14+$0xFFFFFFE0];
	vm6 =	veq.s32 v12, v3;
	vm5 =	vmor vm7, vm5  }
0x7a: {  	v9 =	vsel vm6, $0xFF800000, v9;
	v7 =	vsel vm5, v7, v10;
	v8 =	vsel vm5, v8, v11  }
0x7b: {  	s24 =	simm.s32 $0x20;
	vm5 =	veq.f32 v9, v7;
	vm6 =	vlt.s32 v12, v8  }
0x7c: {  	v10 =	vor.u32 s24, v0;
	vm7 =	vgt.f32 v9, v7;
	vm5 =	vmand vm5, vm6  }
0x7d: {  	v11 =	vld [tilespmem:s14+$0xFFFFFFF0];
	vm6 =	veq.s32 v10, v3;
	vm5 =	vmor vm7, vm5  }
0x7e: {  	v7 =	vsel vm5, v9, v7;
	v8 =	vsel vm5, v12, v8;
	v9 =	vsel vm6, $0xFF800000, v13  }
0x7f: {  	s25 =	simm.s32 $0x30;
	vm5 =	veq.f32 v9, v7;
	vm6 =	vlt.s32 v10, v8  }
0x80: {  	v61 =	vor.u32 s25, v0;
	vm7 =	vgt.f32 v9, v7;
	vm5 =	vmand vm5, vm6  }
0x81: {  	v62 =	vld [tilespmem:s14+$0x0];
	vm6 =	veq.s32 v61, v3;
	vm5 =	vmor vm7, vm5  }
0x82: {  	v7 =	vsel vm5, v9, v7;
	v8 =	vsel vm5, v10, v8;
	v9 =	vsel vm6, $0xFF800000, v11  }
0x83: {  	s26 =	simm.s32 $0x40;
	vm5 =	veq.f32 v9, v7;
	vm6 =	vlt.s32 v61, v8  }
0x84: {  	v10 =	vor.u32 s26, v0;
	vm7 =	vgt.f32 v9, v7;
	vm5 =	vmand vm5, vm6  }
0x85: {  	v11 =	vld [tilespmem:s14+$0x10];
	vm6 =	veq.s32 v10, v3;
	vm5 =	vmor vm7, vm5  }
0x86: {  	v7 =	vsel vm5, v9, v7;
	v8 =	vsel vm5, v61, v8;
	v9 =	vsel vm6, $0xFF800000, v62  }
0x87: {  	s28 =	simm.s32 $0x50;
	vm5 =	veq.f32 v9, v7;
	vm6 =	vlt.s32 v10, v8  }
0x88: {  	v63 =	vor.u32 s28, v0;
	vm7 =	vgt.f32 v9, v7;
	vm5 =	vmand vm5, vm6  }
0x89: {  	vm6 =	veq.s32 v63, v3;
	vm5 =	vmor vm7, vm5  }
0x8a: {  	v7 =	vsel vm5, v9, v7;
	v8 =	vsel vm5, v10, v8;
	v9 =	vld [tilespmem:s14+$0x20];
	v10 =	vsel vm6, $0xFF800000, v11  }
0x8b: {  	vm5 =	veq.f32 v10, v7;
	vm6 =	vlt.s32 v63, v8  }
0x8c: {  	s29 =	simm.s32 $0x60;
	s30 =	simm.s32 $0x70;
	v11 =	vsel vm4, v2, v6;
	vm4 =	vgt.f32 v10, v7;
	vm5 =	vmand vm5, vm6  }
0x8d: {  	v2 =	vor.u32 s29, v0;
	v6 =	vor.u32 s30, v0;
	vm4 =	vmor vm4, vm5  }
0x8e: {  	vm7 =	veq.s32 v2, v3;
	vm6 =	veq.f32 v4, v5;
	v7 =	vsel vm4, v10, v7;
	v10 =	vld [tilespmem:s14+$0x30]  }
0x8f: {  	v8 =	vsel vm4, v63, v8;
	vm4 =	vlt.s32 v1, v11;
	v9 =	vsel vm7, $0xFF800000, v9  }
0x90: {  	vm4 =	vmand vm6, vm4;
	vm7 =	vlt.s32 v2, v8;
	vm6 =	veq.f32 v9, v7  }
0x91: {  	vm5 =	vgt.f32 v4, v5;
	vm6 =	vmand vm6, vm7;
	vm7 =	vgt.f32 v9, v7  }
0x92: {  	s14 =	simm.s32 $0x20C0;
	vm4 =	vmor vm5, vm4;
	vm5 =	vmor vm7, vm6;
	vm6 =	veq.s32 v6, v3  }
0x93: {  	v7 =	vsel vm5, v9, v7;
	v9 =	vsel vm6, $0xFF800000, v10;
	v10 =	vld [tilespmem:s14+$0xFFFFFFC0]  }
0x94: {  	v8 =	vsel vm5, v2, v8  }
0x95: {  	s31 =	simm.s32 $0x80;
	v2 =	vsel vm4, v4, v5;
	vm5 =	veq.f32 v9, v7;
	vm6 =	vlt.s32 v6, v8  }
0x96: {  	v4 =	vor.u32 s31, v0;
	vm5 =	vmand vm5, vm6;
	vm6 =	vgt.f32 v9, v7  }
0x97: {  	s16 =	simm.s32 $0x8;
	s15 =	simm.s32 $0xF0;
	v1 =	vsel vm4, v1, v11;
	v5 =	vld [tilespmem:s14+$0xFFFFFFD0];
	vm4 =	veq.s32 v4, v3;
	vm5 =	vmor vm6, vm5  }
.LBB2_4:
0x98: {  	s16 =	sadd.s32 $0x8, s16;
	v10 =	vsel vm4, $0xFF800000, v10;
	v7 =	vsel vm5, v9, v7;
	v6 =	vsel vm5, v6, v8  }
0x99: {  	s17 =	sadd.s32 $0xFFFFFFA0, s15;
	p0 =	slt.u32 s16, $0x1F8;
	vm4 =	veq.f32 v10, v7;
	vm5 =	vlt.s32 v4, v6  }
0x9a: {  	vm6 =	vgt.f32 v10, v7;
	v8 =	vor.u32 s17, v0;
	vm4 =	vmand vm5, vm4  }
0x9b: {  	vm5 =	veq.s32 v8, v3;
	vm4 =	vmor vm6, vm4;
	v9 =	vld [tilespmem:s14+$0xFFFFFFE0]  }
0x9c: {  	v7 =	vsel vm4, v10, v7;
	v4 =	vsel vm4, v4, v6;
	v5 =	vsel vm5, $0xFF800000, v5  }
0x9d: {  	s17 =	sadd.s32 $0xFFFFFFB0, s15;
	vm4 =	veq.f32 v5, v7;
	vm5 =	vlt.s32 v8, v4  }
0x9e: {  	v6 =	vor.u32 s17, v0;
	vm6 =	vgt.f32 v5, v7;
	vm4 =	vmand vm4, vm5  }
0x9f: {  	vm5 =	veq.s32 v6, v3;
	vm4 =	vmor vm6, vm4;
	v10 =	vld [tilespmem:s14+$0xFFFFFFF0]  }
0xa0: {  	v5 =	vsel vm4, v5, v7;
	v4 =	vsel vm4, v8, v4;
	v7 =	vsel vm5, $0xFF800000, v9  }
0xa1: {  	s17 =	sadd.s32 $0xFFFFFFC0, s15;
	vm4 =	veq.f32 v7, v5;
	vm5 =	vlt.s32 v6, v4  }
0xa2: {  	v8 =	vor.u32 s17, v0;
	vm6 =	vgt.f32 v7, v5;
	vm4 =	vmand vm4, vm5  }
0xa3: {  	vm5 =	veq.s32 v8, v3;
	vm4 =	vmor vm6, vm4;
	v9 =	vld [tilespmem:s14+$0x0]  }
0xa4: {  	v5 =	vsel vm4, v7, v5;
	v4 =	vsel vm4, v6, v4;
	v6 =	vsel vm5, $0xFF800000, v10  }
0xa5: {  	s17 =	sadd.s32 $0xFFFFFFD0, s15;
	vm4 =	veq.f32 v6, v5;
	vm5 =	vlt.s32 v8, v4  }
0xa6: {  	v7 =	vor.u32 s17, v0;
	vm6 =	vgt.f32 v6, v5;
	vm4 =	vmand vm4, vm5  }
0xa7: {  	vm5 =	veq.s32 v7, v3;
	vm4 =	vmor vm6, vm4;
	v10 =	vld [tilespmem:s14+$0x10]  }
0xa8: {  	v5 =	vsel vm4, v6, v5;
	v4 =	vsel vm4, v8, v4;
	v6 =	vsel vm5, $0xFF800000, v9  }
0xa9: {  	s17 =	sadd.s32 $0xFFFFFFE0, s15;
	vm4 =	veq.f32 v6, v5;
	vm5 =	vlt.s32 v7, v4  }
0xaa: {  	v8 =	vor.u32 s17, v0;
	vm6 =	vgt.f32 v6, v5;
	vm4 =	vmand vm4, vm5  }
0xab: {  	vm5 =	veq.s32 v8, v3;
	vm4 =	vmor vm6, vm4;
	v9 =	vld [tilespmem:s14+$0x20]  }
0xac: {  	v5 =	vsel vm4, v6, v5;
	v4 =	vsel vm4, v7, v4;
	v6 =	vsel vm5, $0xFF800000, v10  }
0xad: {  	s17 =	sadd.s32 $0xFFFFFFF0, s15;
	vm4 =	veq.f32 v6, v5;
	vm5 =	vlt.s32 v8, v4  }
0xae: {  	v11 =	vor.u32 s17, v0;
	vm6 =	vgt.f32 v6, v5;
	vm4 =	vmand vm4, vm5  }
0xaf: {  	vm5 =	veq.s32 v11, v3;
	vm4 =	vmor vm6, vm4;
	v12 =	vld [tilespmem:s14+$0x30]  }
0xb0: {  	v5 =	vsel vm4, v6, v5;
	v4 =	vsel vm4, v8, v4;
	v7 =	vsel vm5, $0xFF800000, v9  }
0xb1: {  	vm4 =	veq.f32 v7, v5;
	vm5 =	vlt.s32 v11, v4  }
0xb2: {  	s14 =	sadd.s32 $0x80, s14;
	v6 =	vor.u32 s15, v0;
	vm6 =	vgt.f32 v7, v5;
	vm4 =	vmand vm4, vm5  }
.Ltmp1:
0xb3: {  	vm5 =	veq.s32 v6, v3;
	v10 =	vld [tilespmem:s14+$0xFFFFFFC0];
	vm4 =	vmor vm6, vm4;
	(pc) =	sbr.rel @p0 .LBB2_4-.Ltmp1, $4  }
0xb4: {  	s15 =	sadd.s32 $0x80, s15;
	v7 =	vsel vm4, v7, v5;
	v8 =	vsel vm4, v11, v4;
	v9 =	vsel vm5, $0xFF800000, v12  }
0xb5: {  	s17 =	sadd.s32 $0xFFFFFF90, s15;
	vm4 =	veq.f32 v9, v7;
	vm5 =	vlt.s32 v6, v8  }
0xb6: {  	v4 =	vor.u32 s17, v0;
	vm6 =	vgt.f32 v9, v7;
	vm5 =	vmand vm4, vm5  }
0xb7: {  	vm4 =	veq.s32 v4, v3;
	v5 =	vld [tilespmem:s14+$0xFFFFFFD0];
	vm5 =	vmor vm6, vm5  }
0xb8: {  	v10 =	vsel vm4, $0xFF800000, v10;
	v7 =	vsel vm5, v9, v7;
	v6 =	vsel vm5, v6, v8  }
0xb9: {  	s16 =	sadd.s32 $0xFFFFFFA0, s15;
	vm4 =	veq.f32 v10, v7;
	vm5 =	vlt.s32 v4, v6  }
0xba: {  	vm6 =	vgt.f32 v10, v7;
	v42 =	vor.u32 s16, v0;
	vm4 =	vmand vm5, vm4  }
0xbb: {  	v43 =	vld [tilespmem:s14+$0xFFFFFFE0];
	vm5 =	veq.s32 v42, v3;
	vm4 =	vmor vm6, vm4  }
0xbc: {  	v7 =	vsel vm4, v10, v7;
	v44 =	vsel vm4, v4, v6;
	v5 =	vsel vm5, $0xFF800000, v5  }
0xbd: {  	s23 =	sadd.s32 $0xFFFFFFB0, s15;
	vm4 =	veq.f32 v5, v7;
	vm5 =	vlt.s32 v42, v44  }
0xbe: {  	v45 =	vor.u32 s23, v0;
	vm9 =	vgt.f32 v5, v7;
	vm4 =	vmand vm4, vm5  }
0xbf: {  	v46 =	vld [tilespmem:s14+$0xFFFFFFF0];
	vm5 =	veq.s32 v45, v3;
	vm4 =	vmor vm9, vm4  }
0xc0: {  	v47 =	vsel vm5, $0xFF800000, v43;
	v5 =	vsel vm4, v5, v7;
	v4 =	vsel vm4, v42, v44  }
0xc1: {  	s24 =	sadd.s32 $0xFFFFFFC0, s15;
	vm4 =	veq.f32 v47, v5;
	vm5 =	vlt.s32 v45, v4  }
0xc2: {  	v48 =	vor.u32 s24, v0;
	vm10 =	vgt.f32 v47, v5;
	vm4 =	vmand vm4, vm5  }
0xc3: {  	v49 =	vld [tilespmem:s14+$0x0];
	vm5 =	veq.s32 v48, v3;
	vm4 =	vmor vm10, vm4  }
0xc4: {  	v50 =	vsel vm5, $0xFF800000, v46;
	v5 =	vsel vm4, v47, v5;
	v4 =	vsel vm4, v45, v4  }
0xc5: {  	s25 =	sadd.s32 $0xFFFFFFD0, s15;
	vm4 =	veq.f32 v50, v5;
	vm5 =	vlt.s32 v48, v4  }
0xc6: {  	v51 =	vor.u32 s25, v0;
	vm11 =	vgt.f32 v50, v5;
	vm4 =	vmand vm4, vm5  }
0xc7: {  	v52 =	vld [tilespmem:s14+$0x10];
	vm5 =	veq.s32 v51, v3;
	vm4 =	vmor vm11, vm4  }
0xc8: {  	v53 =	vsel vm5, $0xFF800000, v49;
	v5 =	vsel vm4, v50, v5;
	v4 =	vsel vm4, v48, v4  }
0xc9: {  	s26 =	sadd.s32 $0xFFFFFFE0, s15;
	vm4 =	veq.f32 v53, v5;
	vm5 =	vlt.s32 v51, v4  }
0xca: {  	v54 =	vor.u32 s26, v0;
	vm12 =	vgt.f32 v53, v5;
	vm4 =	vmand vm4, vm5  }
0xcb: {  	v55 =	vld [tilespmem:s14+$0x20];
	vm5 =	veq.s32 v54, v3;
	vm4 =	vmor vm12, vm4  }
0xcc: {  	(xrf0) =	vmax.scan.msk.f32 $0xffff, v2;
	v56 =	vsel vm5, $0xFF800000, v52;
	v5 =	vsel vm4, v53, v5;
	v4 =	vsel vm4, v51, v4  }
0xcd: {  	s28 =	sadd.s32 $0xFFFFFFF0, s15;
	vm4 =	veq.f32 v56, v5;
	vm5 =	vlt.s32 v54, v4  }
0xce: {  	v57 =	vor.u32 s28, v0;
	vm13 =	vgt.f32 v56, v5;
	vm4 =	vmand vm4, vm5  }
0xcf: {  	v58 =	vld [tilespmem:s14+$0x30];
	vm5 =	veq.s32 v57, v3;
	vm4 =	vmor vm13, vm4  }
0xd0: {  	v59 =	vsel vm5, $0xFF800000, v55;
	v5 =	vsel vm4, v56, v5;
	v4 =	vsel vm4, v54, v4  }
0xd1: {  	vm4 =	veq.f32 v59, v5;
	vm5 =	vlt.s32 v57, v4  }
0xd2: {  	v60 =	vor.u32 s15, v0;
	v61, _, _ =	vpop (xrf0);
	vm14 =	vgt.f32 v59, v5;
	vm4 =	vmand vm4, vm5  }
0xd3: {  	v63 =	vbroadcast v61, $0xF;
	vm5 =	veq.s32 v60, v3;
	vm4 =	vmor vm14, vm4  }
0xd4: {  	v62 =	vsel vm5, $0xFF800000, v58;
	v3 =	vsel vm4, v59, v5;
	v4 =	vsel vm4, v57, v4  }
0xd5: {  	v1 =	vxor.u32 $0x80000000, v1;
	vm4 =	veq.f32 v62, v3;
	vm5 =	vlt.s32 v60, v4  }
0xd6: {  	vm15 =	vgt.f32 v62, v3;
	vm4 =	vmand vm4, vm5;
	vm5 =	veq.f32 v2, v63  }
0xd7: {  	vm4 =	vmor vm15, vm4;
	v1 =	vnsel vm5, $0xC0000000, v1  }
0xd8: {  	v2 =	vsel vm4, v62, v3;
	(xrf0) =	vmin.scan.msk.u32 $0xffff, v1  }
0xd9: {  	(xrf0) =	vmax.scan.msk.f32 $0xffff, v2;
	_ =	sdelay $0x4  }
0xda: {  	v1, _, _ =	vpop (xrf0)  }
0xdb: {  	v3, _, _ =	vpop (xrf0)  }
0xdc: {  	v3 =	vbroadcast v3, $0xF  }
0xdd: {  	v4 =	vsel vm4, v60, v4  }
0xde: {  	vm4 =	veq.f32 v2, v3;
	v2 =	vxor.u32 $0x80000000, v4  }
0xdf: {  	v2 =	vnsel vm4, $0xC0000000, v2  }
0xe0: {  	(xrf0) =	vmin.scan.msk.u32 $0xffff, v2  }
0xe1: {  	(v2sf) =	vpush v61, $0xF  }
0xe2: {  	(v2sf) =	vpush v1, $0xF;
	_ =	sdelay $0x3  }
0xe3: {  	v1, _, _ =	vpop (xrf0)  }
0xe4: {  	(v2sf) =	vpush v1, $0xF;
	_ =	sdelay $0x8  }
0xe5: {  	s29 =	spop (v2sf)  }
0xe6: {  	p0 =	sgt.f32 s29, $0.0e+00;
	s30 =	spop (v2sf)  }
0xe7: {  	s14 =	sxor.u32 $0x80000000, s30  }
0xe8: {  	s14 =	simm.s32 @!p0 $0xFFFFFFFF  }
0xe9: {  	s15 =	simm.s32 $0x1;
	v1 =	vmov s14  }
0xea: {  	s15 =	simm.s32 @!p0 $0x0;
	v1 =	vnsel vm0, $0x0, v1  }
0xeb: {  	v1 =	vsel vm1, s15, v1;
	s31 =	spop (v2sf)  }
0xec: {  	s12 =	sadd.s32 $0x1, s12;
	v1 =	vsel vm2, s13, v1;
	s14 =	sxor.u32 $0x80000000, s31  }
0xed: {  	p0 =	sne.s32 s12, s6;
	v1 =	vsel vm3, s14, v1  }
.Ltmp2:
0xee: {  	[tilespmem:$0x4000] =	vst v1;
	(pc) =	sbr.rel @p0 .LBB2_1-.Ltmp2, $4  }
0xef: {  	[hbm4b:s5+s2] =	stream.linear.scatter [tilespmem:s11], [sflag:$0x1], $0x80, $0x38;
	[tilespmem:$0x4080] =	vst v63  }
0xf0: {  	_ =	swait.ge [sflag:s9], $0x80  }
0xf1: {  	[sflag:s9] =	ssyncset.done $0x0  }
0xf2: {  	[sflag:s9] =	ssyncadd.s32 $0xFFFFFF80  }
0xf3: {  	_ =	sfence.sel $0x180000  }
0xf4: {  	[bflag:$0x0] =	sbarrier.arrive $0xFFFF  }
0xf5: {  	p0 =	sne.s32 s1, $0x0;
	_ =	strace $0x90000047  }
0xf6: {  	s0 =	sadd.s32 @!p0 $0x100000, s0;
	[bflag:$0x2] =	sbarrier.arrive $0xFFFF  }
0xf7: {  	[sflag:s0] =	ssyncadd.tile.s32 @!p0 $0x1;
	_ =	shalt  }
.Lfunc_end2:
_tile_overlayer_lowered:
.L_overlay_start_2:
0xf8: {  	(tag) =	ssettag $0x2  }
0xf9: {  	s0 =	rddreg [dreg:$0x0];
	s2 =	stileid.u32  }
0xfa: {  	s1 =	rddreg [dreg:$0x1];
	p0 =	sne.s32 s2, $0x0  }
0xfb: {  	s3 =	rddreg [dreg:$0x2];
	[bflag:$0x3] =	sbarrier.arrive $0xFFFF;
	s2 =	simm.s32 @!p0 $0x1C01  }
0xfc: {  	[timem:s3], [sflag:s2] =	dma.local @!p0 [hbm:s0], s1  }
0xfd: {  	s0 =	simm.s32 @!p0 $0x1  }
0xfe: {  	_ =	swait.ge @!p0 [sflag:s0], s1  }
0xff: {  	s1 =	ssub.s32 @!p0 $0x0, s1;
	[sflag:s0] =	ssyncset.done @!p0 $0x0  }
0x100: {  	[sflag:s0] =	ssyncadd.s32 @!p0 s1  }
0x101: {  	[bflag:$0x3] =	sbarrier.arrive $0xFFFF  }
0x102: {  	_ =	shalt  }

</sc_bundles>
